<compile_context>
chip_gen: v7x
topology: tpu7x:2x2x1
jax: 0.10.2.dev20260603
libtpu: 0.0.44.dev20260713+nightly
codegen_flags: <defaults>
</compile_context>

<pallas_src>
import functools

import jax
import jax.numpy as jnp
from jax import lax
from jax.experimental import pallas as pl
from jax.experimental.pallas import tpu as pltpu
from jax.experimental.pallas import tpu_sc as plsc

_B = 16384
_D = 64
_NC = 2
_NS = 16
_NW = _NC * _NS
_BPW = _B // _NW
_NG = _BPW // 16
_SB = 4
_NSB = 16 // _SB

_mesh = plsc.VectorSubcoreMesh(core_axis_name="c", subcore_axis_name="s")


@functools.partial(
    pl.kernel,
    mesh=_mesh,
    compiler_params=pltpu.CompilerParams(needs_layout_passes=False),
    out_type=jax.ShapeDtypeStruct((_B, _D), jnp.float32),
    scratch_types=[
        pltpu.VMEM((_BPW,), jnp.int32),
        pltpu.VMEM((3 * _SB, _D, 128), jnp.float32),
        pltpu.VMEM((16, _D), jnp.float32),
        pltpu.SemaphoreType.DMA,
    ],
)
def _sc_gather(idx_hbm, dT_hbm, outT_hbm, idx_v, buf_v, stage_v, sem):
    wid = lax.axis_index("s") * _NC + lax.axis_index("c")
    base = wid * _BPW
    pltpu.sync_copy(idx_hbm.at[pl.ds(base, _BPW)], idx_v)

    iota = lax.iota(jnp.int32, 16)

    def group(g, c):
        vv = idx_v[pl.ds(g * 16, 16)]
        cols = (vv >> 7) * 128
        lanes = vv & 127

        def issue(sb):
            bank = sb % 3
            for t in range(_SB):
                cb = pl.multiple_of(cols[sb * _SB + t], 128)
                pltpu.async_copy(
                    dT_hbm.at[:, pl.ds(cb, 128)],
                    buf_v.at[bank * _SB + t],
                    sem,
                )

        def extract(sb):
            bank = sb % 3
            for _ in range(_SB):
                pltpu.make_async_copy(
                    dT_hbm.at[:, pl.ds(0, 128)], buf_v.at[0], sem
                ).wait()
            for t in range(_SB):
                l = lanes[sb * _SB + t]
                lvec = jnp.full((16,), 0, jnp.int32) + l
                svec = jnp.full((16,), bank * _SB + t, jnp.int32)
                for cc in range(4):
                    vals = plsc.load_gather(
                        buf_v, [svec, iota + cc * 16, lvec]
                    )
                    stage_v[sb * _SB + t, pl.ds(cc * 16, 16)] = vals

        issue(0)
        issue(1)
        issue(2)
        extract(0)
        issue(3)
        extract(1)
        extract(2)
        extract(3)
        pltpu.sync_copy(stage_v, outT_hbm.at[pl.ds(base + g * 16, 16)])
        return c

    lax.fori_loop(0, _NG, group, 0)


def kernel(x, data):
    return _sc_gather(x, data.T)

# --- scband reference (transcript-rebuilt; emitter-appended) ---
"""Pipeline reference for scband-circular-tensor-43834436223640 (READ-ONLY COPY).

The authoritative reference and input builder live on the scoring server;
editing this copy changes nothing except your own understanding.
"""

import jax, jax.numpy as jnp
import numpy as np

SIZE = 1000000
D = 64
B = 16384

def setup_inputs(seed: int = 0) -> dict:
    key = jax.random.key(seed)
    k1, k2 = jax.random.split(key)
    # forward index arg (int64 per spec; jax uses int32 by default which is fine in-range)
    x = jax.random.randint(k1, (B,), 0, SIZE, dtype=jnp.int32)
    # materialized circular-buffer storage (registered buffer 'data'), assumed full (length == size)
    data = jax.random.normal(k2, (SIZE, D), dtype=jnp.float32)
    return {"x": x, "data": data}

def reference(x, data):
    # CircularTensor.forward -> __getitem__: idx %= size; return data[idx].contiguous()
    idx = x % data.shape[0]
    return jnp.take(data, idx, axis=0)

if __name__ == "__main__":
    import jax
    _d = setup_inputs()
    print(jax.jit(kernel)(*tuple(_d.values())))

</pallas_src>

<mosaic_0001>
#map = affine_map<(d0, d1) -> (0)>
#map1 = affine_map<(d0, d1) -> (0, 0)>
module attributes {stable_mosaic.version = 14 : i64} {
  func.func @_sc_gather(%arg0: i32, %arg1: i32, %arg2: memref<16384xi32, #tpu.memory_space<hbm>>, %arg3: memref<64x1000000xf32, #tpu.memory_space<hbm>>, %arg4: memref<16384x64xf32, #tpu.memory_space<hbm>>, %arg5: memref<512xi32, #tpu.memory_space<vmem>>, %arg6: memref<12x64x128xf32, #tpu.memory_space<vmem>>, %arg7: memref<16x64xf32, #tpu.memory_space<vmem>>, %arg8: memref<!tpu.dma_semaphore, #tpu.memory_space<semaphore_mem>>) attributes {dimension_semantics = [#tpu.dimension_semantics<core_parallel>, #tpu.dimension_semantics<subcore_parallel>], iteration_bounds = array<i64: 2, 16>, scalar_prefetch = 0 : i64, scratch_operands = 4 : i64, tpu.core_type = #tpu.core_type<sc_vector_subcore>, window_params = [{transform_indices = #map}, {transform_indices = #map1}, {transform_indices = #map1}]} {
    %mul3A = arith.constant 2 : i32
    %mul3A_0 = arith.muli %arg1, %mul3A : i32
    %add3A = arith.addi %mul3A_0, %arg0 : i32
    %mul3A_1 = arith.constant 512 : i32
    %mul3A_2 = arith.muli %add3A, %mul3A_1 : i32
    "tpu.region"() ({
      %run_scoped3A = tpu.sem_alloc : memref<!tpu.dma_semaphore, #tpu.memory_space<semaphore_mem>>
      %dma_start3A = tpu.memref_slice %arg2[%mul3A_2] : memref<16384xi32, #tpu.memory_space<hbm>> -> memref<512xi32, #tpu.memory_space<hbm>>
      %dma_start3A_8 = tpu.memref_slice %arg2[%mul3A_2] : memref<16384xi32, #tpu.memory_space<hbm>> -> memref<512xi32, #tpu.memory_space<hbm>>
      tpu.enqueue_dma source(%dma_start3A_8 : memref<512xi32, #tpu.memory_space<hbm>>) target(%arg5 : memref<512xi32, #tpu.memory_space<vmem>>) target_semaphore(%run_scoped3A : memref<!tpu.dma_semaphore, #tpu.memory_space<semaphore_mem>>)
      %dma_wait3A = tpu.memref_slice %arg2[%mul3A_2] : memref<16384xi32, #tpu.memory_space<hbm>> -> memref<512xi32, #tpu.memory_space<hbm>>
      %dma_wait3A_9 = tpu.memref_slice %arg2[%mul3A_2] : memref<16384xi32, #tpu.memory_space<hbm>> -> memref<512xi32, #tpu.memory_space<hbm>>
      tpu.wait_dma2 semaphore(%run_scoped3A : memref<!tpu.dma_semaphore, #tpu.memory_space<semaphore_mem>>) src(%dma_wait3A_9 : memref<512xi32, #tpu.memory_space<hbm>>) dst(%arg5 : memref<512xi32, #tpu.memory_space<vmem>>)
      tpu.yield
    }) : () -> ()
    %iota3A = tpu.iota {dimensions = array<i32: 0>} : vector<16xi32>
    %scan3A = arith.constant 0 : i32
    %scan3A_3 = arith.constant 0 : i32
    %scan3A_4 = arith.constant 32 : i32
    %scan3A_5 = arith.addi %scan3A_3, %scan3A_4 : i32
    %scan3A_6 = arith.constant 1 : i32
    scf.for %scan3A_8 = %scan3A_3 to %scan3A_5 step %scan3A_6  : i32 {
      %mul3A_9 = arith.constant 16 : i32
      %mul3A_10 = arith.muli %scan3A_8, %mul3A_9 : i32
      %get3A = arith.index_cast %mul3A_10 : i32 to index
      %get3A_11 = tpu.vector_load %arg5[%get3A] {strides = array<i32>} : memref<512xi32, #tpu.memory_space<vmem>>, vector<16xi32>,
      %shift_right_arithmetic3A = arith.constant 7 : i32
      %shift_right_arithmetic3A_12 = vector.broadcast %shift_right_arithmetic3A : i32 to vector<16xi32>
      %shift_right_arithmetic3A_13 = arith.shrsi %get3A_11, %shift_right_arithmetic3A_12 : vector<16xi32>
      %mul3A_14 = arith.constant 128 : i32
      %mul3A_15 = vector.broadcast %mul3A_14 : i32 to vector<16xi32>
      %mul3A_16 = arith.muli %shift_right_arithmetic3A_13, %mul3A_15 : vector<16xi32>
      %and3A = arith.constant 127 : i32
      %and3A_17 = vector.broadcast %and3A : i32 to vector<16xi32>
      %and3A_18 = arith.andi %get3A_11, %and3A_17 : vector<16xi32>
      %slice3A = vector.extract_strided_slice %mul3A_16 {offsets = [0], sizes = [1], strides = [1]} : vector<16xi32> to vector<1xi32>
      %squeeze3A = vector.extract %slice3A[0] : i32 from vector<1xi32>
      %multiple_of3A = tpu.assume_multiple %squeeze3A, 128 : i32
      %dma_start3A = arith.constant 0 : i32
      %dma_start3A_19 = arith.constant 0 : i32
      %dma_start3A_20 = arith.constant 0 : i32
      %dma_start3A_21 = tpu.memref_slice %arg6[%dma_start3A, %dma_start3A_19, %dma_start3A_20] : memref<12x64x128xf32, #tpu.memory_space<vmem>> -> memref<1x64x128xf32, #tpu.memory_space<vmem>>
      %dma_start3A_22 = tpu.memref_squeeze %dma_start3A_21 : memref<1x64x128xf32, #tpu.memory_space<vmem>> -> memref<64x128xf32, #tpu.memory_space<vmem>>
      %dma_start3A_23 = arith.constant 0 : i32
      %dma_start3A_24 = tpu.memref_slice %arg3[%dma_start3A_23, %multiple_of3A] : memref<64x1000000xf32, #tpu.memory_space<hbm>> -> memref<64x128xf32, #tpu.memory_space<hbm>>
      %dma_start3A_25 = arith.constant 0 : i32
      %dma_start3A_26 = arith.constant 0 : i32
      %dma_start3A_27 = tpu.memref_slice %arg6[%dma_start3A, %dma_start3A_25, %dma_start3A_26] : memref<12x64x128xf32, #tpu.memory_space<vmem>> -> memref<1x64x128xf32, #tpu.memory_space<vmem>>
      %dma_start3A_28 = tpu.memref_squeeze %dma_start3A_27 : memref<1x64x128xf32, #tpu.memory_space<vmem>> -> memref<64x128xf32, #tpu.memory_space<vmem>>
      %dma_start3A_29 = arith.constant 0 : i32
      %dma_start3A_30 = tpu.memref_slice %arg3[%dma_start3A_29, %multiple_of3A] : memref<64x1000000xf32, #tpu.memory_space<hbm>> -> memref<64x128xf32, #tpu.memory_space<hbm>>
      tpu.enqueue_dma source(%dma_start3A_30 : memref<64x128xf32, #tpu.memory_space<hbm>>) target(%dma_start3A_28 : memref<64x128xf32, #tpu.memory_space<vmem>>) target_semaphore(%arg8 : memref<!tpu.dma_semaphore, #tpu.memory_space<semaphore_mem>>)
      %slice3A_31 = vector.extract_strided_slice %mul3A_16 {offsets = [1], sizes = [1], strides = [1]} : vector<16xi32> to vector<1xi32>
      %squeeze3A_32 = vector.extract %slice3A_31[0] : i32 from vector<1xi32>
      %multiple_of3A_33 = tpu.assume_multiple %squeeze3A_32, 128 : i32
      %dma_start3A_34 = arith.constant 1 : i32
      %dma_start3A_35 = arith.constant 0 : i32
      %dma_start3A_36 = arith.constant 0 : i32
      %dma_start3A_37 = tpu.memref_slice %arg6[%dma_start3A_34, %dma_start3A_35, %dma_start3A_36] : memref<12x64x128xf32, #tpu.memory_space<vmem>> -> memref<1x64x128xf32, #tpu.memory_space<vmem>>
      %dma_start3A_38 = tpu.memref_squeeze %dma_start3A_37 : memref<1x64x128xf32, #tpu.memory_space<vmem>> -> memref<64x128xf32, #tpu.memory_space<vmem>>
      %dma_start3A_39 = arith.constant 0 : i32
      %dma_start3A_40 = tpu.memref_slice %arg3[%dma_start3A_39, %multiple_of3A_33] : memref<64x1000000xf32, #tpu.memory_space<hbm>> -> memref<64x128xf32, #tpu.memory_space<hbm>>
      %dma_start3A_41 = arith.constant 0 : i32
      %dma_start3A_42 = arith.constant 0 : i32
      %dma_start3A_43 = tpu.memref_slice %arg6[%dma_start3A_34, %dma_start3A_41, %dma_start3A_42] : memref<12x64x128xf32, #tpu.memory_space<vmem>> -> memref<1x64x128xf32, #tpu.memory_space<vmem>>
      %dma_start3A_44 = tpu.memref_squeeze %dma_start3A_43 : memref<1x64x128xf32, #tpu.memory_space<vmem>> -> memref<64x128xf32, #tpu.memory_space<vmem>>
      %dma_start3A_45 = arith.constant 0 : i32
      %dma_start3A_46 = tpu.memref_slice %arg3[%dma_start3A_45, %multiple_of3A_33] : memref<64x1000000xf32, #tpu.memory_space<hbm>> -> memref<64x128xf32, #tpu.memory_space<hbm>>
      tpu.enqueue_dma source(%dma_start3A_46 : memref<64x128xf32, #tpu.memory_space<hbm>>) target(%dma_start3A_44 : memref<64x128xf32, #tpu.memory_space<vmem>>) target_semaphore(%arg8 : memref<!tpu.dma_semaphore, #tpu.memory_space<semaphore_mem>>)
      %slice3A_47 = vector.extract_strided_slice %mul3A_16 {offsets = [2], sizes = [1], strides = [1]} : vector<16xi32> to vector<1xi32>
      %squeeze3A_48 = vector.extract %slice3A_47[0] : i32 from vector<1xi32>
      %multiple_of3A_49 = tpu.assume_multiple %squeeze3A_48, 128 : i32
      %dma_start3A_50 = arith.constant 2 : i32
      %dma_start3A_51 = arith.constant 0 : i32
      %dma_start3A_52 = arith.constant 0 : i32
      %dma_start3A_53 = tpu.memref_slice %arg6[%dma_start3A_50, %dma_start3A_51, %dma_start3A_52] : memref<12x64x128xf32, #tpu.memory_space<vmem>> -> memref<1x64x128xf32, #tpu.memory_space<vmem>>
      %dma_start3A_54 = tpu.memref_squeeze %dma_start3A_53 : memref<1x64x128xf32, #tpu.memory_space<vmem>> -> memref<64x128xf32, #tpu.memory_space<vmem>>
      %dma_start3A_55 = arith.constant 0 : i32
      %dma_start3A_56 = tpu.memref_slice %arg3[%dma_start3A_55, %multiple_of3A_49] : memref<64x1000000xf32, #tpu.memory_space<hbm>> -> memref<64x128xf32, #tpu.memory_space<hbm>>
      %dma_start3A_57 = arith.constant 0 : i32
      %dma_start3A_58 = arith.constant 0 : i32
      %dma_start3A_59 = tpu.memref_slice %arg6[%dma_start3A_50, %dma_start3A_57, %dma_start3A_58] : memref<12x64x128xf32, #tpu.memory_space<vmem>> -> memref<1x64x128xf32, #tpu.memory_space<vmem>>
      %dma_start3A_60 = tpu.memref_squeeze %dma_start3A_59 : memref<1x64x128xf32, #tpu.memory_space<vmem>> -> memref<64x128xf32, #tpu.memory_space<vmem>>
      %dma_start3A_61 = arith.constant 0 : i32
      %dma_start3A_62 = tpu.memref_slice %arg3[%dma_start3A_61, %multiple_of3A_49] : memref<64x1000000xf32, #tpu.memory_space<hbm>> -> memref<64x128xf32, #tpu.memory_space<hbm>>
      tpu.enqueue_dma source(%dma_start3A_62 : memref<64x128xf32, #tpu.memory_space<hbm>>) target(%dma_start3A_60 : memref<64x128xf32, #tpu.memory_space<vmem>>) target_semaphore(%arg8 : memref<!tpu.dma_semaphore, #tpu.memory_space<semaphore_mem>>)
      %slice3A_63 = vector.extract_strided_slice %mul3A_16 {offsets = [3], sizes = [1], strides = [1]} : vector<16xi32> to vector<1xi32>
      %squeeze3A_64 = vector.extract %slice3A_63[0] : i32 from vector<1xi32>
      %multiple_of3A_65 = tpu.assume_multiple %squeeze3A_64, 128 : i32
      %dma_start3A_66 = arith.constant 3 : i32
      %dma_start3A_67 = arith.constant 0 : i32
      %dma_start3A_68 = arith.constant 0 : i32
      %dma_start3A_69 = tpu.memref_slice %arg6[%dma_start3A_66, %dma_start3A_67, %dma_start3A_68] : memref<12x64x128xf32, #tpu.memory_space<vmem>> -> memref<1x64x128xf32, #tpu.memory_space<vmem>>
      %dma_start3A_70 = tpu.memref_squeeze %dma_start3A_69 : memref<1x64x128xf32, #tpu.memory_space<vmem>> -> memref<64x128xf32, #tpu.memory_space<vmem>>
      %dma_start3A_71 = arith.constant 0 : i32
      %dma_start3A_72 = tpu.memref_slice %arg3[%dma_start3A_71, %multiple_of3A_65] : memref<64x1000000xf32, #tpu.memory_space<hbm>> -> memref<64x128xf32, #tpu.memory_space<hbm>>
      %dma_start3A_73 = arith.constant 0 : i32
      %dma_start3A_74 = arith.constant 0 : i32
      %dma_start3A_75 = tpu.memref_slice %arg6[%dma_start3A_66, %dma_start3A_73, %dma_start3A_74] : memref<12x64x128xf32, #tpu.memory_space<vmem>> -> memref<1x64x128xf32, #tpu.memory_space<vmem>>
      %dma_start3A_76 = tpu.memref_squeeze %dma_start3A_75 : memref<1x64x128xf32, #tpu.memory_space<vmem>> -> memref<64x128xf32, #tpu.memory_space<vmem>>
      %dma_start3A_77 = arith.constant 0 : i32
      %dma_start3A_78 = tpu.memref_slice %arg3[%dma_start3A_77, %multiple_of3A_65] : memref<64x1000000xf32, #tpu.memory_space<hbm>> -> memref<64x128xf32, #tpu.memory_space<hbm>>
      tpu.enqueue_dma source(%dma_start3A_78 : memref<64x128xf32, #tpu.memory_space<hbm>>) target(%dma_start3A_76 : memref<64x128xf32, #tpu.memory_space<vmem>>) target_semaphore(%arg8 : memref<!tpu.dma_semaphore, #tpu.memory_space<semaphore_mem>>)
      %slice3A_79 = vector.extract_strided_slice %mul3A_16 {offsets = [4], sizes = [1], strides = [1]} : vector<16xi32> to vector<1xi32>
      %squeeze3A_80 = vector.extract %slice3A_79[0] : i32 from vector<1xi32>
      %multiple_of3A_81 = tpu.assume_multiple %squeeze3A_80, 128 : i32
      %dma_start3A_82 = arith.constant 4 : i32
      %dma_start3A_83 = arith.constant 0 : i32
      %dma_start3A_84 = arith.constant 0 : i32
      %dma_start3A_85 = tpu.memref_slice %arg6[%dma_start3A_82, %dma_start3A_83, %dma_start3A_84] : memref<12x64x128xf32, #tpu.memory_space<vmem>> -> memref<1x64x128xf32, #tpu.memory_space<vmem>>
      %dma_start3A_86 = tpu.memref_squeeze %dma_start3A_85 : memref<1x64x128xf32, #tpu.memory_space<vmem>> -> memref<64x128xf32, #tpu.memory_space<vmem>>
      %dma_start3A_87 = arith.constant 0 : i32
      %dma_start3A_88 = tpu.memref_slice %arg3[%dma_start3A_87, %multiple_of3A_81] : memref<64x1000000xf32, #tpu.memory_space<hbm>> -> memref<64x128xf32, #tpu.memory_space<hbm>>
      %dma_start3A_89 = arith.constant 0 : i32
      %dma_start3A_90 = arith.constant 0 : i32
      %dma_start3A_91 = tpu.memref_slice %arg6[%dma_start3A_82, %dma_start3A_89, %dma_start3A_90] : memref<12x64x128xf32, #tpu.memory_space<vmem>> -> memref<1x64x128xf32, #tpu.memory_space<vmem>>
      %dma_start3A_92 = tpu.memref_squeeze %dma_start3A_91 : memref<1x64x128xf32, #tpu.memory_space<vmem>> -> memref<64x128xf32, #tpu.memory_space<vmem>>
      %dma_start3A_93 = arith.constant 0 : i32
      %dma_start3A_94 = tpu.memref_slice %arg3[%dma_start3A_93, %multiple_of3A_81] : memref<64x1000000xf32, #tpu.memory_space<hbm>> -> memref<64x128xf32, #tpu.memory_space<hbm>>
      tpu.enqueue_dma source(%dma_start3A_94 : memref<64x128xf32, #tpu.memory_space<hbm>>) target(%dma_start3A_92 : memref<64x128xf32, #tpu.memory_space<vmem>>) target_semaphore(%arg8 : memref<!tpu.dma_semaphore, #tpu.memory_space<semaphore_mem>>)
      %slice3A_95 = vector.extract_strided_slice %mul3A_16 {offsets = [5], sizes = [1], strides = [1]} : vector<16xi32> to vector<1xi32>
      %squeeze3A_96 = vector.extract %slice3A_95[0] : i32 from vector<1xi32>
      %multiple_of3A_97 = tpu.assume_multiple %squeeze3A_96, 128 : i32
      %dma_start3A_98 = arith.constant 5 : i32
      %dma_start3A_99 = arith.constant 0 : i32
      %dma_start3A_100 = arith.constant 0 : i32
      %dma_start3A_101 = tpu.memref_slice %arg6[%dma_start3A_98, %dma_start3A_99, %dma_start3A_100] : memref<12x64x128xf32, #tpu.memory_space<vmem>> -> memref<1x64x128xf32, #tpu.memory_space<vmem>>
      %dma_start3A_102 = tpu.memref_squeeze %dma_start3A_101 : memref<1x64x128xf32, #tpu.memory_space<vmem>> -> memref<64x128xf32, #tpu.memory_space<vmem>>
      %dma_start3A_103 = arith.constant 0 : i32
      %dma_start3A_104 = tpu.memref_slice %arg3[%dma_start3A_103, %multiple_of3A_97] : memref<64x1000000xf32, #tpu.memory_space<hbm>> -> memref<64x128xf32, #tpu.memory_space<hbm>>
      %dma_start3A_105 = arith.constant 0 : i32
      %dma_start3A_106 = arith.constant 0 : i32
      %dma_start3A_107 = tpu.memref_slice %arg6[%dma_start3A_98, %dma_start3A_105, %dma_start3A_106] : memref<12x64x128xf32, #tpu.memory_space<vmem>> -> memref<1x64x128xf32, #tpu.memory_space<vmem>>
      %dma_start3A_108 = tpu.memref_squeeze %dma_start3A_107 : memref<1x64x128xf32, #tpu.memory_space<vmem>> -> memref<64x128xf32, #tpu.memory_space<vmem>>
      %dma_start3A_109 = arith.constant 0 : i32
      %dma_start3A_110 = tpu.memref_slice %arg3[%dma_start3A_109, %multiple_of3A_97] : memref<64x1000000xf32, #tpu.memory_space<hbm>> -> memref<64x128xf32, #tpu.memory_space<hbm>>
      tpu.enqueue_dma source(%dma_start3A_110 : memref<64x128xf32, #tpu.memory_space<hbm>>) target(%dma_start3A_108 : memref<64x128xf32, #tpu.memory_space<vmem>>) target_semaphore(%arg8 : memref<!tpu.dma_semaphore, #tpu.memory_space<semaphore_mem>>)
      %slice3A_111 = vector.extract_strided_slice %mul3A_16 {offsets = [6], sizes = [1], strides = [1]} : vector<16xi32> to vector<1xi32>
      %squeeze3A_112 = vector.extract %slice3A_111[0] : i32 from vector<1xi32>
      %multiple_of3A_113 = tpu.assume_multiple %squeeze3A_112, 128 : i32
      %dma_start3A_114 = arith.constant 6 : i32
      %dma_start3A_115 = arith.constant 0 : i32
      %dma_start3A_116 = arith.constant 0 : i32
      %dma_start3A_117 = tpu.memref_slice %arg6[%dma_start3A_114, %dma_start3A_115, %dma_start3A_116] : memref<12x64x128xf32, #tpu.memory_space<vmem>> -> memref<1x64x128xf32, #tpu.memory_space<vmem>>
      %dma_start3A_118 = tpu.memref_squeeze %dma_start3A_117 : memref<1x64x128xf32, #tpu.memory_space<vmem>> -> memref<64x128xf32, #tpu.memory_space<vmem>>
      %dma_start3A_119 = arith.constant 0 : i32
      %dma_start3A_120 = tpu.memref_slice %arg3[%dma_start3A_119, %multiple_of3A_113] : memref<64x1000000xf32, #tpu.memory_space<hbm>> -> memref<64x128xf32, #tpu.memory_space<hbm>>
      %dma_start3A_121 = arith.constant 0 : i32
      %dma_start3A_122 = arith.constant 0 : i32
      %dma_start3A_123 = tpu.memref_slice %arg6[%dma_start3A_114, %dma_start3A_121, %dma_start3A_122] : memref<12x64x128xf32, #tpu.memory_space<vmem>> -> memref<1x64x128xf32, #tpu.memory_space<vmem>>
      %dma_start3A_124 = tpu.memref_squeeze %dma_start3A_123 : memref<1x64x128xf32, #tpu.memory_space<vmem>> -> memref<64x128xf32, #tpu.memory_space<vmem>>
      %dma_start3A_125 = arith.constant 0 : i32
      %dma_start3A_126 = tpu.memref_slice %arg3[%dma_start3A_125, %multiple_of3A_113] : memref<64x1000000xf32, #tpu.memory_space<hbm>> -> memref<64x128xf32, #tpu.memory_space<hbm>>
      tpu.enqueue_dma source(%dma_start3A_126 : memref<64x128xf32, #tpu.memory_space<hbm>>) target(%dma_start3A_124 : memref<64x128xf32, #tpu.memory_space<vmem>>) target_semaphore(%arg8 : memref<!tpu.dma_semaphore, #tpu.memory_space<semaphore_mem>>)
      %slice3A_127 = vector.extract_strided_slice %mul3A_16 {offsets = [7], sizes = [1], strides = [1]} : vector<16xi32> to vector<1xi32>
      %squeeze3A_128 = vector.extract %slice3A_127[0] : i32 from vector<1xi32>
      %multiple_of3A_129 = tpu.assume_multiple %squeeze3A_128, 128 : i32
      %dma_start3A_130 = arith.constant 7 : i32
      %dma_start3A_131 = arith.constant 0 : i32
      %dma_start3A_132 = arith.constant 0 : i32
      %dma_start3A_133 = tpu.memref_slice %arg6[%dma_start3A_130, %dma_start3A_131, %dma_start3A_132] : memref<12x64x128xf32, #tpu.memory_space<vmem>> -> memref<1x64x128xf32, #tpu.memory_space<vmem>>
      %dma_start3A_134 = tpu.memref_squeeze %dma_start3A_133 : memref<1x64x128xf32, #tpu.memory_space<vmem>> -> memref<64x128xf32, #tpu.memory_space<vmem>>
      %dma_start3A_135 = arith.constant 0 : i32
      %dma_start3A_136 = tpu.memref_slice %arg3[%dma_start3A_135, %multiple_of3A_129] : memref<64x1000000xf32, #tpu.memory_space<hbm>> -> memref<64x128xf32, #tpu.memory_space<hbm>>
      %dma_start3A_137 = arith.constant 0 : i32
      %dma_start3A_138 = arith.constant 0 : i32
      %dma_start3A_139 = tpu.memref_slice %arg6[%dma_start3A_130, %dma_start3A_137, %dma_start3A_138] : memref<12x64x128xf32, #tpu.memory_space<vmem>> -> memref<1x64x128xf32, #tpu.memory_space<vmem>>
      %dma_start3A_140 = tpu.memref_squeeze %dma_start3A_139 : memref<1x64x128xf32, #tpu.memory_space<vmem>> -> memref<64x128xf32, #tpu.memory_space<vmem>>
      %dma_start3A_141 = arith.constant 0 : i32
      %dma_start3A_142 = tpu.memref_slice %arg3[%dma_start3A_141, %multiple_of3A_129] : memref<64x1000000xf32, #tpu.memory_space<hbm>> -> memref<64x128xf32, #tpu.memory_space<hbm>>
      tpu.enqueue_dma source(%dma_start3A_142 : memref<64x128xf32, #tpu.memory_space<hbm>>) target(%dma_start3A_140 : memref<64x128xf32, #tpu.memory_space<vmem>>) target_semaphore(%arg8 : memref<!tpu.dma_semaphore, #tpu.memory_space<semaphore_mem>>)
      %slice3A_143 = vector.extract_strided_slice %mul3A_16 {offsets = [8], sizes = [1], strides = [1]} : vector<16xi32> to vector<1xi32>
      %squeeze3A_144 = vector.extract %slice3A_143[0] : i32 from vector<1xi32>
      %multiple_of3A_145 = tpu.assume_multiple %squeeze3A_144, 128 : i32
      %dma_start3A_146 = arith.constant 8 : i32
      %dma_start3A_147 = arith.constant 0 : i32
      %dma_start3A_148 = arith.constant 0 : i32
      %dma_start3A_149 = tpu.memref_slice %arg6[%dma_start3A_146, %dma_start3A_147, %dma_start3A_148] : memref<12x64x128xf32, #tpu.memory_space<vmem>> -> memref<1x64x128xf32, #tpu.memory_space<vmem>>
      %dma_start3A_150 = tpu.memref_squeeze %dma_start3A_149 : memref<1x64x128xf32, #tpu.memory_space<vmem>> -> memref<64x128xf32, #tpu.memory_space<vmem>>
      %dma_start3A_151 = arith.constant 0 : i32
      %dma_start3A_152 = tpu.memref_slice %arg3[%dma_start3A_151, %multiple_of3A_145] : memref<64x1000000xf32, #tpu.memory_space<hbm>> -> memref<64x128xf32, #tpu.memory_space<hbm>>
      %dma_start3A_153 = arith.constant 0 : i32
      %dma_start3A_154 = arith.constant 0 : i32
      %dma_start3A_155 = tpu.memref_slice %arg6[%dma_start3A_146, %dma_start3A_153, %dma_start3A_154] : memref<12x64x128xf32, #tpu.memory_space<vmem>> -> memref<1x64x128xf32, #tpu.memory_space<vmem>>
      %dma_start3A_156 = tpu.memref_squeeze %dma_start3A_155 : memref<1x64x128xf32, #tpu.memory_space<vmem>> -> memref<64x128xf32, #tpu.memory_space<vmem>>
      %dma_start3A_157 = arith.constant 0 : i32
      %dma_start3A_158 = tpu.memref_slice %arg3[%dma_start3A_157, %multiple_of3A_145] : memref<64x1000000xf32, #tpu.memory_space<hbm>> -> memref<64x128xf32, #tpu.memory_space<hbm>>
      tpu.enqueue_dma source(%dma_start3A_158 : memref<64x128xf32, #tpu.memory_space<hbm>>) target(%dma_start3A_156 : memref<64x128xf32, #tpu.memory_space<vmem>>) target_semaphore(%arg8 : memref<!tpu.dma_semaphore, #tpu.memory_space<semaphore_mem>>)
      %slice3A_159 = vector.extract_strided_slice %mul3A_16 {offsets = [9], sizes = [1], strides = [1]} : vector<16xi32> to vector<1xi32>
      %squeeze3A_160 = vector.extract %slice3A_159[0] : i32 from vector<1xi32>
      %multiple_of3A_161 = tpu.assume_multiple %squeeze3A_160, 128 : i32
      %dma_start3A_162 = arith.constant 9 : i32
      %dma_start3A_163 = arith.constant 0 : i32
      %dma_start3A_164 = arith.constant 0 : i32
      %dma_start3A_165 = tpu.memref_slice %arg6[%dma_start3A_162, %dma_start3A_163, %dma_start3A_164] : memref<12x64x128xf32, #tpu.memory_space<vmem>> -> memref<1x64x128xf32, #tpu.memory_space<vmem>>
      %dma_start3A_166 = tpu.memref_squeeze %dma_start3A_165 : memref<1x64x128xf32, #tpu.memory_space<vmem>> -> memref<64x128xf32, #tpu.memory_space<vmem>>
      %dma_start3A_167 = arith.constant 0 : i32
      %dma_start3A_168 = tpu.memref_slice %arg3[%dma_start3A_167, %multiple_of3A_161] : memref<64x1000000xf32, #tpu.memory_space<hbm>> -> memref<64x128xf32, #tpu.memory_space<hbm>>
      %dma_start3A_169 = arith.constant 0 : i32
      %dma_start3A_170 = arith.constant 0 : i32
      %dma_start3A_171 = tpu.memref_slice %arg6[%dma_start3A_162, %dma_start3A_169, %dma_start3A_170] : memref<12x64x128xf32, #tpu.memory_space<vmem>> -> memref<1x64x128xf32, #tpu.memory_space<vmem>>
      %dma_start3A_172 = tpu.memref_squeeze %dma_start3A_171 : memref<1x64x128xf32, #tpu.memory_space<vmem>> -> memref<64x128xf32, #tpu.memory_space<vmem>>
      %dma_start3A_173 = arith.constant 0 : i32
      %dma_start3A_174 = tpu.memref_slice %arg3[%dma_start3A_173, %multiple_of3A_161] : memref<64x1000000xf32, #tpu.memory_space<hbm>> -> memref<64x128xf32, #tpu.memory_space<hbm>>
      tpu.enqueue_dma source(%dma_start3A_174 : memref<64x128xf32, #tpu.memory_space<hbm>>) target(%dma_start3A_172 : memref<64x128xf32, #tpu.memory_space<vmem>>) target_semaphore(%arg8 : memref<!tpu.dma_semaphore, #tpu.memory_space<semaphore_mem>>)
      %slice3A_175 = vector.extract_strided_slice %mul3A_16 {offsets = [10], sizes = [1], strides = [1]} : vector<16xi32> to vector<1xi32>
      %squeeze3A_176 = vector.extract %slice3A_175[0] : i32 from vector<1xi32>
      %multiple_of3A_177 = tpu.assume_multiple %squeeze3A_176, 128 : i32
      %dma_start3A_178 = arith.constant 10 : i32
      %dma_start3A_179 = arith.constant 0 : i32
      %dma_start3A_180 = arith.constant 0 : i32
      %dma_start3A_181 = tpu.memref_slice %arg6[%dma_start3A_178, %dma_start3A_179, %dma_start3A_180] : memref<12x64x128xf32, #tpu.memory_space<vmem>> -> memref<1x64x128xf32, #tpu.memory_space<vmem>>
      %dma_start3A_182 = tpu.memref_squeeze %dma_start3A_181 : memref<1x64x128xf32, #tpu.memory_space<vmem>> -> memref<64x128xf32, #tpu.memory_space<vmem>>
      %dma_start3A_183 = arith.constant 0 : i32
      %dma_start3A_184 = tpu.memref_slice %arg3[%dma_start3A_183, %multiple_of3A_177] : memref<64x1000000xf32, #tpu.memory_space<hbm>> -> memref<64x128xf32, #tpu.memory_space<hbm>>
      %dma_start3A_185 = arith.constant 0 : i32
      %dma_start3A_186 = arith.constant 0 : i32
      %dma_start3A_187 = tpu.memref_slice %arg6[%dma_start3A_178, %dma_start3A_185, %dma_start3A_186] : memref<12x64x128xf32, #tpu.memory_space<vmem>> -> memref<1x64x128xf32, #tpu.memory_space<vmem>>
      %dma_start3A_188 = tpu.memref_squeeze %dma_start3A_187 : memref<1x64x128xf32, #tpu.memory_space<vmem>> -> memref<64x128xf32, #tpu.memory_space<vmem>>
      %dma_start3A_189 = arith.constant 0 : i32
      %dma_start3A_190 = tpu.memref_slice %arg3[%dma_start3A_189, %multiple_of3A_177] : memref<64x1000000xf32, #tpu.memory_space<hbm>> -> memref<64x128xf32, #tpu.memory_space<hbm>>
      tpu.enqueue_dma source(%dma_start3A_190 : memref<64x128xf32, #tpu.memory_space<hbm>>) target(%dma_start3A_188 : memref<64x128xf32, #tpu.memory_space<vmem>>) target_semaphore(%arg8 : memref<!tpu.dma_semaphore, #tpu.memory_space<semaphore_mem>>)
      %slice3A_191 = vector.extract_strided_slice %mul3A_16 {offsets = [11], sizes = [1], strides = [1]} : vector<16xi32> to vector<1xi32>
      %squeeze3A_192 = vector.extract %slice3A_191[0] : i32 from vector<1xi32>
      %multiple_of3A_193 = tpu.assume_multiple %squeeze3A_192, 128 : i32
      %dma_start3A_194 = arith.constant 11 : i32
      %dma_start3A_195 = arith.constant 0 : i32
      %dma_start3A_196 = arith.constant 0 : i32
      %dma_start3A_197 = tpu.memref_slice %arg6[%dma_start3A_194, %dma_start3A_195, %dma_start3A_196] : memref<12x64x128xf32, #tpu.memory_space<vmem>> -> memref<1x64x128xf32, #tpu.memory_space<vmem>>
      %dma_start3A_198 = tpu.memref_squeeze %dma_start3A_197 : memref<1x64x128xf32, #tpu.memory_space<vmem>> -> memref<64x128xf32, #tpu.memory_space<vmem>>
      %dma_start3A_199 = arith.constant 0 : i32
      %dma_start3A_200 = tpu.memref_slice %arg3[%dma_start3A_199, %multiple_of3A_193] : memref<64x1000000xf32, #tpu.memory_space<hbm>> -> memref<64x128xf32, #tpu.memory_space<hbm>>
      %dma_start3A_201 = arith.constant 0 : i32
      %dma_start3A_202 = arith.constant 0 : i32
      %dma_start3A_203 = tpu.memref_slice %arg6[%dma_start3A_194, %dma_start3A_201, %dma_start3A_202] : memref<12x64x128xf32, #tpu.memory_space<vmem>> -> memref<1x64x128xf32, #tpu.memory_space<vmem>>
      %dma_start3A_204 = tpu.memref_squeeze %dma_start3A_203 : memref<1x64x128xf32, #tpu.memory_space<vmem>> -> memref<64x128xf32, #tpu.memory_space<vmem>>
      %dma_start3A_205 = arith.constant 0 : i32
      %dma_start3A_206 = tpu.memref_slice %arg3[%dma_start3A_205, %multiple_of3A_193] : memref<64x1000000xf32, #tpu.memory_space<hbm>> -> memref<64x128xf32, #tpu.memory_space<hbm>>
      tpu.enqueue_dma source(%dma_start3A_206 : memref<64x128xf32, #tpu.memory_space<hbm>>) target(%dma_start3A_204 : memref<64x128xf32, #tpu.memory_space<vmem>>) target_semaphore(%arg8 : memref<!tpu.dma_semaphore, #tpu.memory_space<semaphore_mem>>)
      %dma_wait3A = arith.constant 0 : i32
      %dma_wait3A_207 = arith.constant 0 : i32
      %dma_wait3A_208 = arith.constant 0 : i32
      %dma_wait3A_209 = tpu.memref_slice %arg6[%dma_wait3A, %dma_wait3A_207, %dma_wait3A_208] : memref<12x64x128xf32, #tpu.memory_space<vmem>> -> memref<1x64x128xf32, #tpu.memory_space<vmem>>
      %dma_wait3A_210 = tpu.memref_squeeze %dma_wait3A_209 : memref<1x64x128xf32, #tpu.memory_space<vmem>> -> memref<64x128xf32, #tpu.memory_space<vmem>>
      %dma_wait3A_211 = arith.constant 0 : i32
      %dma_wait3A_212 = arith.constant 0 : i32
      %dma_wait3A_213 = tpu.memref_slice %arg3[%dma_wait3A_211, %dma_wait3A_212] : memref<64x1000000xf32, #tpu.memory_space<hbm>> -> memref<64x128xf32, #tpu.memory_space<hbm>>
      %dma_wait3A_214 = arith.constant 0 : i32
      %dma_wait3A_215 = arith.constant 0 : i32
      %dma_wait3A_216 = tpu.memref_slice %arg6[%dma_wait3A, %dma_wait3A_214, %dma_wait3A_215] : memref<12x64x128xf32, #tpu.memory_space<vmem>> -> memref<1x64x128xf32, #tpu.memory_space<vmem>>
      %dma_wait3A_217 = tpu.memref_squeeze %dma_wait3A_216 : memref<1x64x128xf32, #tpu.memory_space<vmem>> -> memref<64x128xf32, #tpu.memory_space<vmem>>
      %dma_wait3A_218 = arith.constant 0 : i32
      %dma_wait3A_219 = arith.constant 0 : i32
      %dma_wait3A_220 = tpu.memref_slice %arg3[%dma_wait3A_218, %dma_wait3A_219] : memref<64x1000000xf32, #tpu.memory_space<hbm>> -> memref<64x128xf32, #tpu.memory_space<hbm>>
      tpu.wait_dma2 semaphore(%arg8 : memref<!tpu.dma_semaphore, #tpu.memory_space<semaphore_mem>>) src(%dma_wait3A_220 : memref<64x128xf32, #tpu.memory_space<hbm>>) dst(%dma_wait3A_217 : memref<64x128xf32, #tpu.memory_space<vmem>>)
      %dma_wait3A_221 = arith.constant 0 : i32
      %dma_wait3A_222 = arith.constant 0 : i32
      %dma_wait3A_223 = arith.constant 0 : i32
      %dma_wait3A_224 = tpu.memref_slice %arg6[%dma_wait3A_221, %dma_wait3A_222, %dma_wait3A_223] : memref<12x64x128xf32, #tpu.memory_space<vmem>> -> memref<1x64x128xf32, #tpu.memory_space<vmem>>
      %dma_wait3A_225 = tpu.memref_squeeze %dma_wait3A_224 : memref<1x64x128xf32, #tpu.memory_space<vmem>> -> memref<64x128xf32, #tpu.memory_space<vmem>>
      %dma_wait3A_226 = arith.constant 0 : i32
      %dma_wait3A_227 = arith.constant 0 : i32
      %dma_wait3A_228 = tpu.memref_slice %arg3[%dma_wait3A_226, %dma_wait3A_227] : memref<64x1000000xf32, #tpu.memory_space<hbm>> -> memref<64x128xf32, #tpu.memory_space<hbm>>
      %dma_wait3A_229 = arith.constant 0 : i32
      %dma_wait3A_230 = arith.constant 0 : i32
      %dma_wait3A_231 = tpu.memref_slice %arg6[%dma_wait3A_221, %dma_wait3A_229, %dma_wait3A_230] : memref<12x64x128xf32, #tpu.memory_space<vmem>> -> memref<1x64x128xf32, #tpu.memory_space<vmem>>
      %dma_wait3A_232 = tpu.memref_squeeze %dma_wait3A_231 : memref<1x64x128xf32, #tpu.memory_space<vmem>> -> memref<64x128xf32, #tpu.memory_space<vmem>>
      %dma_wait3A_233 = arith.constant 0 : i32
      %dma_wait3A_234 = arith.constant 0 : i32
      %dma_wait3A_235 = tpu.memref_slice %arg3[%dma_wait3A_233, %dma_wait3A_234] : memref<64x1000000xf32, #tpu.memory_space<hbm>> -> memref<64x128xf32, #tpu.memory_space<hbm>>
      tpu.wait_dma2 semaphore(%arg8 : memref<!tpu.dma_semaphore, #tpu.memory_space<semaphore_mem>>) src(%dma_wait3A_235 : memref<64x128xf32, #tpu.memory_space<hbm>>) dst(%dma_wait3A_232 : memref<64x128xf32, #tpu.memory_space<vmem>>)
      %dma_wait3A_236 = arith.constant 0 : i32
      %dma_wait3A_237 = arith.constant 0 : i32
      %dma_wait3A_238 = arith.constant 0 : i32
      %dma_wait3A_239 = tpu.memref_slice %arg6[%dma_wait3A_236, %dma_wait3A_237, %dma_wait3A_238] : memref<12x64x128xf32, #tpu.memory_space<vmem>> -> memref<1x64x128xf32, #tpu.memory_space<vmem>>
      %dma_wait3A_240 = tpu.memref_squeeze %dma_wait3A_239 : memref<1x64x128xf32, #tpu.memory_space<vmem>> -> memref<64x128xf32, #tpu.memory_space<vmem>>
      %dma_wait3A_241 = arith.constant 0 : i32
      %dma_wait3A_242 = arith.constant 0 : i32
      %dma_wait3A_243 = tpu.memref_slice %arg3[%dma_wait3A_241, %dma_wait3A_242] : memref<64x1000000xf32, #tpu.memory_space<hbm>> -> memref<64x128xf32, #tpu.memory_space<hbm>>
      %dma_wait3A_244 = arith.constant 0 : i32
      %dma_wait3A_245 = arith.constant 0 : i32
      %dma_wait3A_246 = tpu.memref_slice %arg6[%dma_wait3A_236, %dma_wait3A_244, %dma_wait3A_245] : memref<12x64x128xf32, #tpu.memory_space<vmem>> -> memref<1x64x128xf32, #tpu.memory_space<vmem>>
      %dma_wait3A_247 = tpu.memref_squeeze %dma_wait3A_246 : memref<1x64x128xf32, #tpu.memory_space<vmem>> -> memref<64x128xf32, #tpu.memory_space<vmem>>
      %dma_wait3A_248 = arith.constant 0 : i32
      %dma_wait3A_249 = arith.constant 0 : i32
      %dma_wait3A_250 = tpu.memref_slice %arg3[%dma_wait3A_248, %dma_wait3A_249] : memref<64x1000000xf32, #tpu.memory_space<hbm>> -> memref<64x128xf32, #tpu.memory_space<hbm>>
      tpu.wait_dma2 semaphore(%arg8 : memref<!tpu.dma_semaphore, #tpu.memory_space<semaphore_mem>>) src(%dma_wait3A_250 : memref<64x128xf32, #tpu.memory_space<hbm>>) dst(%dma_wait3A_247 : memref<64x128xf32, #tpu.memory_space<vmem>>)
      %dma_wait3A_251 = arith.constant 0 : i32
      %dma_wait3A_252 = arith.constant 0 : i32
      %dma_wait3A_253 = arith.constant 0 : i32
      %dma_wait3A_254 = tpu.memref_slice %arg6[%dma_wait3A_251, %dma_wait3A_252, %dma_wait3A_253] : memref<12x64x128xf32, #tpu.memory_space<vmem>> -> memref<1x64x128xf32, #tpu.memory_space<vmem>>
      %dma_wait3A_255 = tpu.memref_squeeze %dma_wait3A_254 : memref<1x64x128xf32, #tpu.memory_space<vmem>> -> memref<64x128xf32, #tpu.memory_space<vmem>>
      %dma_wait3A_256 = arith.constant 0 : i32
      %dma_wait3A_257 = arith.constant 0 : i32
      %dma_wait3A_258 = tpu.memref_slice %arg3[%dma_wait3A_256, %dma_wait3A_257] : memref<64x1000000xf32, #tpu.memory_space<hbm>> -> memref<64x128xf32, #tpu.memory_space<hbm>>
      %dma_wait3A_259 = arith.constant 0 : i32
      %dma_wait3A_260 = arith.constant 0 : i32
      %dma_wait3A_261 = tpu.memref_slice %arg6[%dma_wait3A_251, %dma_wait3A_259, %dma_wait3A_260] : memref<12x64x128xf32, #tpu.memory_space<vmem>> -> memref<1x64x128xf32, #tpu.memory_space<vmem>>
      %dma_wait3A_262 = tpu.memref_squeeze %dma_wait3A_261 : memref<1x64x128xf32, #tpu.memory_space<vmem>> -> memref<64x128xf32, #tpu.memory_space<vmem>>
      %dma_wait3A_263 = arith.constant 0 : i32
      %dma_wait3A_264 = arith.constant 0 : i32
      %dma_wait3A_265 = tpu.memref_slice %arg3[%dma_wait3A_263, %dma_wait3A_264] : memref<64x1000000xf32, #tpu.memory_space<hbm>> -> memref<64x128xf32, #tpu.memory_space<hbm>>
      tpu.wait_dma2 semaphore(%arg8 : memref<!tpu.dma_semaphore, #tpu.memory_space<semaphore_mem>>) src(%dma_wait3A_265 : memref<64x128xf32, #tpu.memory_space<hbm>>) dst(%dma_wait3A_262 : memref<64x128xf32, #tpu.memory_space<vmem>>)
      %slice3A_266 = vector.extract_strided_slice %and3A_18 {offsets = [0], sizes = [1], strides = [1]} : vector<16xi32> to vector<1xi32>
      %squeeze3A_267 = vector.extract %slice3A_266[0] : i32 from vector<1xi32>
      %broadcast_in_dim3A = arith.constant 0 : i32
      %broadcast_in_dim3A_268 = vector.broadcast %broadcast_in_dim3A : i32 to vector<16xi32>
      %add3A_269 = vector.broadcast %squeeze3A_267 : i32 to vector<16xi32>
      %add3A_270 = arith.addi %broadcast_in_dim3A_268, %add3A_269 : vector<16xi32>
      %broadcast_in_dim3A_271 = arith.constant 0 : i32
      %broadcast_in_dim3A_272 = vector.broadcast %broadcast_in_dim3A_271 : i32 to vector<16xi32>
      %add3A_273 = arith.constant 0 : i32
      %add3A_274 = vector.broadcast %add3A_273 : i32 to vector<16xi32>
      %add3A_275 = arith.addi %iota3A, %add3A_274 : vector<16xi32>
      %gather3A = tpu.vector_load_idx %arg6[%broadcast_in_dim3A_272, %add3A_275, %add3A_270] : memref<12x64x128xf32, #tpu.memory_space<vmem>>[vector<16xi32>, vector<16xi32>, vector<16xi32>], vector<16xf32>,
      %swap3A = arith.constant 0 : i32
      %swap3A_276 = arith.index_cast %swap3A : i32 to index
      %swap3A_277 = arith.constant 0 : index
      %swap3A_278 = tpu.vector_load %arg7[%swap3A_276, %swap3A_277] {strides = array<i32>} : memref<16x64xf32, #tpu.memory_space<vmem>>, vector<16xf32>,
      tpu.vector_store %arg7[%swap3A_276, %swap3A_277], %gather3A {strides = array<i32>} : memref<16x64xf32, #tpu.memory_space<vmem>>, vector<16xf32>,
      %add3A_279 = arith.constant 16 : i32
      %add3A_280 = vector.broadcast %add3A_279 : i32 to vector<16xi32>
      %add3A_281 = arith.addi %iota3A, %add3A_280 : vector<16xi32>
      %gather3A_282 = tpu.vector_load_idx %arg6[%broadcast_in_dim3A_272, %add3A_281, %add3A_270] : memref<12x64x128xf32, #tpu.memory_space<vmem>>[vector<16xi32>, vector<16xi32>, vector<16xi32>], vector<16xf32>,
      %swap3A_283 = arith.constant 0 : i32
      %swap3A_284 = arith.index_cast %swap3A_283 : i32 to index
      %swap3A_285 = arith.constant 16 : index
      %swap3A_286 = tpu.vector_load %arg7[%swap3A_284, %swap3A_285] {strides = array<i32>} : memref<16x64xf32, #tpu.memory_space<vmem>>, vector<16xf32>,
      tpu.vector_store %arg7[%swap3A_284, %swap3A_285], %gather3A_282 {strides = array<i32>} : memref<16x64xf32, #tpu.memory_space<vmem>>, vector<16xf32>,
      %add3A_287 = arith.constant 32 : i32
      %add3A_288 = vector.broadcast %add3A_287 : i32 to vector<16xi32>
      %add3A_289 = arith.addi %iota3A, %add3A_288 : vector<16xi32>
      %gather3A_290 = tpu.vector_load_idx %arg6[%broadcast_in_dim3A_272, %add3A_289, %add3A_270] : memref<12x64x128xf32, #tpu.memory_space<vmem>>[vector<16xi32>, vector<16xi32>, vector<16xi32>], vector<16xf32>,
      %swap3A_291 = arith.constant 0 : i32
      %swap3A_292 = arith.index_cast %swap3A_291 : i32 to index
      %swap3A_293 = arith.constant 32 : index
      %swap3A_294 = tpu.vector_load %arg7[%swap3A_292, %swap3A_293] {strides = array<i32>} : memref<16x64xf32, #tpu.memory_space<vmem>>, vector<16xf32>,
      tpu.vector_store %arg7[%swap3A_292, %swap3A_293], %gather3A_290 {strides = array<i32>} : memref<16x64xf32, #tpu.memory_space<vmem>>, vector<16xf32>,
      %add3A_295 = arith.constant 48 : i32
      %add3A_296 = vector.broadcast %add3A_295 : i32 to vector<16xi32>
      %add3A_297 = arith.addi %iota3A, %add3A_296 : vector<16xi32>
      %gather3A_298 = tpu.vector_load_idx %arg6[%broadcast_in_dim3A_272, %add3A_297, %add3A_270] : memref<12x64x128xf32, #tpu.memory_space<vmem>>[vector<16xi32>, vector<16xi32>, vector<16xi32>], vector<16xf32>,
      %swap3A_299 = arith.constant 0 : i32
      %swap3A_300 = arith.index_cast %swap3A_299 : i32 to index
      %swap3A_301 = arith.constant 48 : index
      %swap3A_302 = tpu.vector_load %arg7[%swap3A_300, %swap3A_301] {strides = array<i32>} : memref<16x64xf32, #tpu.memory_space<vmem>>, vector<16xf32>,
      tpu.vector_store %arg7[%swap3A_300, %swap3A_301], %gather3A_298 {strides = array<i32>} : memref<16x64xf32, #tpu.memory_space<vmem>>, vector<16xf32>,
      %slice3A_303 = vector.extract_strided_slice %and3A_18 {offsets = [1], sizes = [1], strides = [1]} : vector<16xi32> to vector<1xi32>
      %squeeze3A_304 = vector.extract %slice3A_303[0] : i32 from vector<1xi32>
      %broadcast_in_dim3A_305 = arith.constant 0 : i32
      %broadcast_in_dim3A_306 = vector.broadcast %broadcast_in_dim3A_305 : i32 to vector<16xi32>
      %add3A_307 = vector.broadcast %squeeze3A_304 : i32 to vector<16xi32>
      %add3A_308 = arith.addi %broadcast_in_dim3A_306, %add3A_307 : vector<16xi32>
      %broadcast_in_dim3A_309 = arith.constant 1 : i32
      %broadcast_in_dim3A_310 = vector.broadcast %broadcast_in_dim3A_309 : i32 to vector<16xi32>
      %add3A_311 = arith.constant 0 : i32
      %add3A_312 = vector.broadcast %add3A_311 : i32 to vector<16xi32>
      %add3A_313 = arith.addi %iota3A, %add3A_312 : vector<16xi32>
      %gather3A_314 = tpu.vector_load_idx %arg6[%broadcast_in_dim3A_310, %add3A_313, %add3A_308] : memref<12x64x128xf32, #tpu.memory_space<vmem>>[vector<16xi32>, vector<16xi32>, vector<16xi32>], vector<16xf32>,
      %swap3A_315 = arith.constant 1 : i32
      %swap3A_316 = arith.index_cast %swap3A_315 : i32 to index
      %swap3A_317 = arith.constant 0 : index
      %swap3A_318 = tpu.vector_load %arg7[%swap3A_316, %swap3A_317] {strides = array<i32>} : memref<16x64xf32, #tpu.memory_space<vmem>>, vector<16xf32>,
      tpu.vector_store %arg7[%swap3A_316, %swap3A_317], %gather3A_314 {strides = array<i32>} : memref<16x64xf32, #tpu.memory_space<vmem>>, vector<16xf32>,
      %add3A_319 = arith.constant 16 : i32
      %add3A_320 = vector.broadcast %add3A_319 : i32 to vector<16xi32>
      %add3A_321 = arith.addi %iota3A, %add3A_320 : vector<16xi32>
      %gather3A_322 = tpu.vector_load_idx %arg6[%broadcast_in_dim3A_310, %add3A_321, %add3A_308] : memref<12x64x128xf32, #tpu.memory_space<vmem>>[vector<16xi32>, vector<16xi32>, vector<16xi32>], vector<16xf32>,
      %swap3A_323 = arith.constant 1 : i32
      %swap3A_324 = arith.index_cast %swap3A_323 : i32 to index
      %swap3A_325 = arith.constant 16 : index
      %swap3A_326 = tpu.vector_load %arg7[%swap3A_324, %swap3A_325] {strides = array<i32>} : memref<16x64xf32, #tpu.memory_space<vmem>>, vector<16xf32>,
      tpu.vector_store %arg7[%swap3A_324, %swap3A_325], %gather3A_322 {strides = array<i32>} : memref<16x64xf32, #tpu.memory_space<vmem>>, vector<16xf32>,
      %add3A_327 = arith.constant 32 : i32
      %add3A_328 = vector.broadcast %add3A_327 : i32 to vector<16xi32>
      %add3A_329 = arith.addi %iota3A, %add3A_328 : vector<16xi32>
      %gather3A_330 = tpu.vector_load_idx %arg6[%broadcast_in_dim3A_310, %add3A_329, %add3A_308] : memref<12x64x128xf32, #tpu.memory_space<vmem>>[vector<16xi32>, vector<16xi32>, vector<16xi32>], vector<16xf32>,
      %swap3A_331 = arith.constant 1 : i32
      %swap3A_332 = arith.index_cast %swap3A_331 : i32 to index
      %swap3A_333 = arith.constant 32 : index
      %swap3A_334 = tpu.vector_load %arg7[%swap3A_332, %swap3A_333] {strides = array<i32>} : memref<16x64xf32, #tpu.memory_space<vmem>>, vector<16xf32>,
      tpu.vector_store %arg7[%swap3A_332, %swap3A_333], %gather3A_330 {strides = array<i32>} : memref<16x64xf32, #tpu.memory_space<vmem>>, vector<16xf32>,
      %add3A_335 = arith.constant 48 : i32
      %add3A_336 = vector.broadcast %add3A_335 : i32 to vector<16xi32>
      %add3A_337 = arith.addi %iota3A, %add3A_336 : vector<16xi32>
      %gather3A_338 = tpu.vector_load_idx %arg6[%broadcast_in_dim3A_310, %add3A_337, %add3A_308] : memref<12x64x128xf32, #tpu.memory_space<vmem>>[vector<16xi32>, vector<16xi32>, vector<16xi32>], vector<16xf32>,
      %swap3A_339 = arith.constant 1 : i32
      %swap3A_340 = arith.index_cast %swap3A_339 : i32 to index
      %swap3A_341 = arith.constant 48 : index
      %swap3A_342 = tpu.vector_load %arg7[%swap3A_340, %swap3A_341] {strides = array<i32>} : memref<16x64xf32, #tpu.memory_space<vmem>>, vector<16xf32>,
      tpu.vector_store %arg7[%swap3A_340, %swap3A_341], %gather3A_338 {strides = array<i32>} : memref<16x64xf32, #tpu.memory_space<vmem>>, vector<16xf32>,
      %slice3A_343 = vector.extract_strided_slice %and3A_18 {offsets = [2], sizes = [1], strides = [1]} : vector<16xi32> to vector<1xi32>
      %squeeze3A_344 = vector.extract %slice3A_343[0] : i32 from vector<1xi32>
      %broadcast_in_dim3A_345 = arith.constant 0 : i32
      %broadcast_in_dim3A_346 = vector.broadcast %broadcast_in_dim3A_345 : i32 to vector<16xi32>
      %add3A_347 = vector.broadcast %squeeze3A_344 : i32 to vector<16xi32>
      %add3A_348 = arith.addi %broadcast_in_dim3A_346, %add3A_347 : vector<16xi32>
      %broadcast_in_dim3A_349 = arith.constant 2 : i32
      %broadcast_in_dim3A_350 = vector.broadcast %broadcast_in_dim3A_349 : i32 to vector<16xi32>
      %add3A_351 = arith.constant 0 : i32
      %add3A_352 = vector.broadcast %add3A_351 : i32 to vector<16xi32>
      %add3A_353 = arith.addi %iota3A, %add3A_352 : vector<16xi32>
      %gather3A_354 = tpu.vector_load_idx %arg6[%broadcast_in_dim3A_350, %add3A_353, %add3A_348] : memref<12x64x128xf32, #tpu.memory_space<vmem>>[vector<16xi32>, vector<16xi32>, vector<16xi32>], vector<16xf32>,
      %swap3A_355 = arith.constant 2 : i32
      %swap3A_356 = arith.index_cast %swap3A_355 : i32 to index
      %swap3A_357 = arith.constant 0 : index
      %swap3A_358 = tpu.vector_load %arg7[%swap3A_356, %swap3A_357] {strides = array<i32>} : memref<16x64xf32, #tpu.memory_space<vmem>>, vector<16xf32>,
      tpu.vector_store %arg7[%swap3A_356, %swap3A_357], %gather3A_354 {strides = array<i32>} : memref<16x64xf32, #tpu.memory_space<vmem>>, vector<16xf32>,
      %add3A_359 = arith.constant 16 : i32
      %add3A_360 = vector.broadcast %add3A_359 : i32 to vector<16xi32>
      %add3A_361 = arith.addi %iota3A, %add3A_360 : vector<16xi32>
      %gather3A_362 = tpu.vector_load_idx %arg6[%broadcast_in_dim3A_350, %add3A_361, %add3A_348] : memref<12x64x128xf32, #tpu.memory_space<vmem>>[vector<16xi32>, vector<16xi32>, vector<16xi32>], vector<16xf32>,
      %swap3A_363 = arith.constant 2 : i32
      %swap3A_364 = arith.index_cast %swap3A_363 : i32 to index
      %swap3A_365 = arith.constant 16 : index
      %swap3A_366 = tpu.vector_load %arg7[%swap3A_364, %swap3A_365] {strides = array<i32>} : memref<16x64xf32, #tpu.memory_space<vmem>>, vector<16xf32>,
      tpu.vector_store %arg7[%swap3A_364, %swap3A_365], %gather3A_362 {strides = array<i32>} : memref<16x64xf32, #tpu.memory_space<vmem>>, vector<16xf32>,
      %add3A_367 = arith.constant 32 : i32
      %add3A_368 = vector.broadcast %add3A_367 : i32 to vector<16xi32>
      %add3A_369 = arith.addi %iota3A, %add3A_368 : vector<16xi32>
      %gather3A_370 = tpu.vector_load_idx %arg6[%broadcast_in_dim3A_350, %add3A_369, %add3A_348] : memref<12x64x128xf32, #tpu.memory_space<vmem>>[vector<16xi32>, vector<16xi32>, vector<16xi32>], vector<16xf32>,
      %swap3A_371 = arith.constant 2 : i32
      %swap3A_372 = arith.index_cast %swap3A_371 : i32 to index
      %swap3A_373 = arith.constant 32 : index
      %swap3A_374 = tpu.vector_load %arg7[%swap3A_372, %swap3A_373] {strides = array<i32>} : memref<16x64xf32, #tpu.memory_space<vmem>>, vector<16xf32>,
      tpu.vector_store %arg7[%swap3A_372, %swap3A_373], %gather3A_370 {strides = array<i32>} : memref<16x64xf32, #tpu.memory_space<vmem>>, vector<16xf32>,
      %add3A_375 = arith.constant 48 : i32
      %add3A_376 = vector.broadcast %add3A_375 : i32 to vector<16xi32>
      %add3A_377 = arith.addi %iota3A, %add3A_376 : vector<16xi32>
      %gather3A_378 = tpu.vector_load_idx %arg6[%broadcast_in_dim3A_350, %add3A_377, %add3A_348] : memref<12x64x128xf32, #tpu.memory_space<vmem>>[vector<16xi32>, vector<16xi32>, vector<16xi32>], vector<16xf32>,
      %swap3A_379 = arith.constant 2 : i32
      %swap3A_380 = arith.index_cast %swap3A_379 : i32 to index
      %swap3A_381 = arith.constant 48 : index
      %swap3A_382 = tpu.vector_load %arg7[%swap3A_380, %swap3A_381] {strides = array<i32>} : memref<16x64xf32, #tpu.memory_space<vmem>>, vector<16xf32>,
      tpu.vector_store %arg7[%swap3A_380, %swap3A_381], %gather3A_378 {strides = array<i32>} : memref<16x64xf32, #tpu.memory_space<vmem>>, vector<16xf32>,
      %slice3A_383 = vector.extract_strided_slice %and3A_18 {offsets = [3], sizes = [1], strides = [1]} : vector<16xi32> to vector<1xi32>
      %squeeze3A_384 = vector.extract %slice3A_383[0] : i32 from vector<1xi32>
      %broadcast_in_dim3A_385 = arith.constant 0 : i32
      %broadcast_in_dim3A_386 = vector.broadcast %broadcast_in_dim3A_385 : i32 to vector<16xi32>
      %add3A_387 = vector.broadcast %squeeze3A_384 : i32 to vector<16xi32>
      %add3A_388 = arith.addi %broadcast_in_dim3A_386, %add3A_387 : vector<16xi32>
      %broadcast_in_dim3A_389 = arith.constant 3 : i32
      %broadcast_in_dim3A_390 = vector.broadcast %broadcast_in_dim3A_389 : i32 to vector<16xi32>
      %add3A_391 = arith.constant 0 : i32
      %add3A_392 = vector.broadcast %add3A_391 : i32 to vector<16xi32>
      %add3A_393 = arith.addi %iota3A, %add3A_392 : vector<16xi32>
      %gather3A_394 = tpu.vector_load_idx %arg6[%broadcast_in_dim3A_390, %add3A_393, %add3A_388] : memref<12x64x128xf32, #tpu.memory_space<vmem>>[vector<16xi32>, vector<16xi32>, vector<16xi32>], vector<16xf32>,
      %swap3A_395 = arith.constant 3 : i32
      %swap3A_396 = arith.index_cast %swap3A_395 : i32 to index
      %swap3A_397 = arith.constant 0 : index
      %swap3A_398 = tpu.vector_load %arg7[%swap3A_396, %swap3A_397] {strides = array<i32>} : memref<16x64xf32, #tpu.memory_space<vmem>>, vector<16xf32>,
      tpu.vector_store %arg7[%swap3A_396, %swap3A_397], %gather3A_394 {strides = array<i32>} : memref<16x64xf32, #tpu.memory_space<vmem>>, vector<16xf32>,
      %add3A_399 = arith.constant 16 : i32
      %add3A_400 = vector.broadcast %add3A_399 : i32 to vector<16xi32>
      %add3A_401 = arith.addi %iota3A, %add3A_400 : vector<16xi32>
      %gather3A_402 = tpu.vector_load_idx %arg6[%broadcast_in_dim3A_390, %add3A_401, %add3A_388] : memref<12x64x128xf32, #tpu.memory_space<vmem>>[vector<16xi32>, vector<16xi32>, vector<16xi32>], vector<16xf32>,
      %swap3A_403 = arith.constant 3 : i32
      %swap3A_404 = arith.index_cast %swap3A_403 : i32 to index
      %swap3A_405 = arith.constant 16 : index
      %swap3A_406 = tpu.vector_load %arg7[%swap3A_404, %swap3A_405] {strides = array<i32>} : memref<16x64xf32, #tpu.memory_space<vmem>>, vector<16xf32>,
      tpu.vector_store %arg7[%swap3A_404, %swap3A_405], %gather3A_402 {strides = array<i32>} : memref<16x64xf32, #tpu.memory_space<vmem>>, vector<16xf32>,
      %add3A_407 = arith.constant 32 : i32
      %add3A_408 = vector.broadcast %add3A_407 : i32 to vector<16xi32>
      %add3A_409 = arith.addi %iota3A, %add3A_408 : vector<16xi32>
      %gather3A_410 = tpu.vector_load_idx %arg6[%broadcast_in_dim3A_390, %add3A_409, %add3A_388] : memref<12x64x128xf32, #tpu.memory_space<vmem>>[vector<16xi32>, vector<16xi32>, vector<16xi32>], vector<16xf32>,
      %swap3A_411 = arith.constant 3 : i32
      %swap3A_412 = arith.index_cast %swap3A_411 : i32 to index
      %swap3A_413 = arith.constant 32 : index
      %swap3A_414 = tpu.vector_load %arg7[%swap3A_412, %swap3A_413] {strides = array<i32>} : memref<16x64xf32, #tpu.memory_space<vmem>>, vector<16xf32>,
      tpu.vector_store %arg7[%swap3A_412, %swap3A_413], %gather3A_410 {strides = array<i32>} : memref<16x64xf32, #tpu.memory_space<vmem>>, vector<16xf32>,
      %add3A_415 = arith.constant 48 : i32
      %add3A_416 = vector.broadcast %add3A_415 : i32 to vector<16xi32>
      %add3A_417 = arith.addi %iota3A, %add3A_416 : vector<16xi32>
      %gather3A_418 = tpu.vector_load_idx %arg6[%broadcast_in_dim3A_390, %add3A_417, %add3A_388] : memref<12x64x128xf32, #tpu.memory_space<vmem>>[vector<16xi32>, vector<16xi32>, vector<16xi32>], vector<16xf32>,
      %swap3A_419 = arith.constant 3 : i32
      %swap3A_420 = arith.index_cast %swap3A_419 : i32 to index
      %swap3A_421 = arith.constant 48 : index
      %swap3A_422 = tpu.vector_load %arg7[%swap3A_420, %swap3A_421] {strides = array<i32>} : memref<16x64xf32, #tpu.memory_space<vmem>>, vector<16xf32>,
      tpu.vector_store %arg7[%swap3A_420, %swap3A_421], %gather3A_418 {strides = array<i32>} : memref<16x64xf32, #tpu.memory_space<vmem>>, vector<16xf32>,
      %slice3A_423 = vector.extract_strided_slice %mul3A_16 {offsets = [12], sizes = [1], strides = [1]} : vector<16xi32> to vector<1xi32>
      %squeeze3A_424 = vector.extract %slice3A_423[0] : i32 from vector<1xi32>
      %multiple_of3A_425 = tpu.assume_multiple %squeeze3A_424, 128 : i32
      %dma_start3A_426 = arith.constant 0 : i32
      %dma_start3A_427 = arith.constant 0 : i32
      %dma_start3A_428 = arith.constant 0 : i32
      %dma_start3A_429 = tpu.memref_slice %arg6[%dma_start3A_426, %dma_start3A_427, %dma_start3A_428] : memref<12x64x128xf32, #tpu.memory_space<vmem>> -> memref<1x64x128xf32, #tpu.memory_space<vmem>>
      %dma_start3A_430 = tpu.memref_squeeze %dma_start3A_429 : memref<1x64x128xf32, #tpu.memory_space<vmem>> -> memref<64x128xf32, #tpu.memory_space<vmem>>
      %dma_start3A_431 = arith.constant 0 : i32
      %dma_start3A_432 = tpu.memref_slice %arg3[%dma_start3A_431, %multiple_of3A_425] : memref<64x1000000xf32, #tpu.memory_space<hbm>> -> memref<64x128xf32, #tpu.memory_space<hbm>>
      %dma_start3A_433 = arith.constant 0 : i32
      %dma_start3A_434 = arith.constant 0 : i32
      %dma_start3A_435 = tpu.memref_slice %arg6[%dma_start3A_426, %dma_start3A_433, %dma_start3A_434] : memref<12x64x128xf32, #tpu.memory_space<vmem>> -> memref<1x64x128xf32, #tpu.memory_space<vmem>>
      %dma_start3A_436 = tpu.memref_squeeze %dma_start3A_435 : memref<1x64x128xf32, #tpu.memory_space<vmem>> -> memref<64x128xf32, #tpu.memory_space<vmem>>
      %dma_start3A_437 = arith.constant 0 : i32
      %dma_start3A_438 = tpu.memref_slice %arg3[%dma_start3A_437, %multiple_of3A_425] : memref<64x1000000xf32, #tpu.memory_space<hbm>> -> memref<64x128xf32, #tpu.memory_space<hbm>>
      tpu.enqueue_dma source(%dma_start3A_438 : memref<64x128xf32, #tpu.memory_space<hbm>>) target(%dma_start3A_436 : memref<64x128xf32, #tpu.memory_space<vmem>>) target_semaphore(%arg8 : memref<!tpu.dma_semaphore, #tpu.memory_space<semaphore_mem>>)
      %slice3A_439 = vector.extract_strided_slice %mul3A_16 {offsets = [13], sizes = [1], strides = [1]} : vector<16xi32> to vector<1xi32>
      %squeeze3A_440 = vector.extract %slice3A_439[0] : i32 from vector<1xi32>
      %multiple_of3A_441 = tpu.assume_multiple %squeeze3A_440, 128 : i32
      %dma_start3A_442 = arith.constant 1 : i32
      %dma_start3A_443 = arith.constant 0 : i32
      %dma_start3A_444 = arith.constant 0 : i32
      %dma_start3A_445 = tpu.memref_slice %arg6[%dma_start3A_442, %dma_start3A_443, %dma_start3A_444] : memref<12x64x128xf32, #tpu.memory_space<vmem>> -> memref<1x64x128xf32, #tpu.memory_space<vmem>>
      %dma_start3A_446 = tpu.memref_squeeze %dma_start3A_445 : memref<1x64x128xf32, #tpu.memory_space<vmem>> -> memref<64x128xf32, #tpu.memory_space<vmem>>
      %dma_start3A_447 = arith.constant 0 : i32
      %dma_start3A_448 = tpu.memref_slice %arg3[%dma_start3A_447, %multiple_of3A_441] : memref<64x1000000xf32, #tpu.memory_space<hbm>> -> memref<64x128xf32, #tpu.memory_space<hbm>>
      %dma_start3A_449 = arith.constant 0 : i32
      %dma_start3A_450 = arith.constant 0 : i32
      %dma_start3A_451 = tpu.memref_slice %arg6[%dma_start3A_442, %dma_start3A_449, %dma_start3A_450] : memref<12x64x128xf32, #tpu.memory_space<vmem>> -> memref<1x64x128xf32, #tpu.memory_space<vmem>>
      %dma_start3A_452 = tpu.memref_squeeze %dma_start3A_451 : memref<1x64x128xf32, #tpu.memory_space<vmem>> -> memref<64x128xf32, #tpu.memory_space<vmem>>
      %dma_start3A_453 = arith.constant 0 : i32
      %dma_start3A_454 = tpu.memref_slice %arg3[%dma_start3A_453, %multiple_of3A_441] : memref<64x1000000xf32, #tpu.memory_space<hbm>> -> memref<64x128xf32, #tpu.memory_space<hbm>>
      tpu.enqueue_dma source(%dma_start3A_454 : memref<64x128xf32, #tpu.memory_space<hbm>>) target(%dma_start3A_452 : memref<64x128xf32, #tpu.memory_space<vmem>>) target_semaphore(%arg8 : memref<!tpu.dma_semaphore, #tpu.memory_space<semaphore_mem>>)
      %slice3A_455 = vector.extract_strided_slice %mul3A_16 {offsets = [14], sizes = [1], strides = [1]} : vector<16xi32> to vector<1xi32>
      %squeeze3A_456 = vector.extract %slice3A_455[0] : i32 from vector<1xi32>
      %multiple_of3A_457 = tpu.assume_multiple %squeeze3A_456, 128 : i32
      %dma_start3A_458 = arith.constant 2 : i32
      %dma_start3A_459 = arith.constant 0 : i32
      %dma_start3A_460 = arith.constant 0 : i32
      %dma_start3A_461 = tpu.memref_slice %arg6[%dma_start3A_458, %dma_start3A_459, %dma_start3A_460] : memref<12x64x128xf32, #tpu.memory_space<vmem>> -> memref<1x64x128xf32, #tpu.memory_space<vmem>>
      %dma_start3A_462 = tpu.memref_squeeze %dma_start3A_461 : memref<1x64x128xf32, #tpu.memory_space<vmem>> -> memref<64x128xf32, #tpu.memory_space<vmem>>
      %dma_start3A_463 = arith.constant 0 : i32
      %dma_start3A_464 = tpu.memref_slice %arg3[%dma_start3A_463, %multiple_of3A_457] : memref<64x1000000xf32, #tpu.memory_space<hbm>> -> memref<64x128xf32, #tpu.memory_space<hbm>>
      %dma_start3A_465 = arith.constant 0 : i32
      %dma_start3A_466 = arith.constant 0 : i32
      %dma_start3A_467 = tpu.memref_slice %arg6[%dma_start3A_458, %dma_start3A_465, %dma_start3A_466] : memref<12x64x128xf32, #tpu.memory_space<vmem>> -> memref<1x64x128xf32, #tpu.memory_space<vmem>>
      %dma_start3A_468 = tpu.memref_squeeze %dma_start3A_467 : memref<1x64x128xf32, #tpu.memory_space<vmem>> -> memref<64x128xf32, #tpu.memory_space<vmem>>
      %dma_start3A_469 = arith.constant 0 : i32
      %dma_start3A_470 = tpu.memref_slice %arg3[%dma_start3A_469, %multiple_of3A_457] : memref<64x1000000xf32, #tpu.memory_space<hbm>> -> memref<64x128xf32, #tpu.memory_space<hbm>>
      tpu.enqueue_dma source(%dma_start3A_470 : memref<64x128xf32, #tpu.memory_space<hbm>>) target(%dma_start3A_468 : memref<64x128xf32, #tpu.memory_space<vmem>>) target_semaphore(%arg8 : memref<!tpu.dma_semaphore, #tpu.memory_space<semaphore_mem>>)
      %slice3A_471 = vector.extract_strided_slice %mul3A_16 {offsets = [15], sizes = [1], strides = [1]} : vector<16xi32> to vector<1xi32>
      %squeeze3A_472 = vector.extract %slice3A_471[0] : i32 from vector<1xi32>
      %multiple_of3A_473 = tpu.assume_multiple %squeeze3A_472, 128 : i32
      %dma_start3A_474 = arith.constant 3 : i32
      %dma_start3A_475 = arith.constant 0 : i32
      %dma_start3A_476 = arith.constant 0 : i32
      %dma_start3A_477 = tpu.memref_slice %arg6[%dma_start3A_474, %dma_start3A_475, %dma_start3A_476] : memref<12x64x128xf32, #tpu.memory_space<vmem>> -> memref<1x64x128xf32, #tpu.memory_space<vmem>>
      %dma_start3A_478 = tpu.memref_squeeze %dma_start3A_477 : memref<1x64x128xf32, #tpu.memory_space<vmem>> -> memref<64x128xf32, #tpu.memory_space<vmem>>
      %dma_start3A_479 = arith.constant 0 : i32
      %dma_start3A_480 = tpu.memref_slice %arg3[%dma_start3A_479, %multiple_of3A_473] : memref<64x1000000xf32, #tpu.memory_space<hbm>> -> memref<64x128xf32, #tpu.memory_space<hbm>>
      %dma_start3A_481 = arith.constant 0 : i32
      %dma_start3A_482 = arith.constant 0 : i32
      %dma_start3A_483 = tpu.memref_slice %arg6[%dma_start3A_474, %dma_start3A_481, %dma_start3A_482] : memref<12x64x128xf32, #tpu.memory_space<vmem>> -> memref<1x64x128xf32, #tpu.memory_space<vmem>>
      %dma_start3A_484 = tpu.memref_squeeze %dma_start3A_483 : memref<1x64x128xf32, #tpu.memory_space<vmem>> -> memref<64x128xf32, #tpu.memory_space<vmem>>
      %dma_start3A_485 = arith.constant 0 : i32
      %dma_start3A_486 = tpu.memref_slice %arg3[%dma_start3A_485, %multiple_of3A_473] : memref<64x1000000xf32, #tpu.memory_space<hbm>> -> memref<64x128xf32, #tpu.memory_space<hbm>>
      tpu.enqueue_dma source(%dma_start3A_486 : memref<64x128xf32, #tpu.memory_space<hbm>>) target(%dma_start3A_484 : memref<64x128xf32, #tpu.memory_space<vmem>>) target_semaphore(%arg8 : memref<!tpu.dma_semaphore, #tpu.memory_space<semaphore_mem>>)
      %dma_wait3A_487 = arith.constant 0 : i32
      %dma_wait3A_488 = arith.constant 0 : i32
      %dma_wait3A_489 = arith.constant 0 : i32
      %dma_wait3A_490 = tpu.memref_slice %arg6[%dma_wait3A_487, %dma_wait3A_488, %dma_wait3A_489] : memref<12x64x128xf32, #tpu.memory_space<vmem>> -> memref<1x64x128xf32, #tpu.memory_space<vmem>>
      %dma_wait3A_491 = tpu.memref_squeeze %dma_wait3A_490 : memref<1x64x128xf32, #tpu.memory_space<vmem>> -> memref<64x128xf32, #tpu.memory_space<vmem>>
      %dma_wait3A_492 = arith.constant 0 : i32
      %dma_wait3A_493 = arith.constant 0 : i32
      %dma_wait3A_494 = tpu.memref_slice %arg3[%dma_wait3A_492, %dma_wait3A_493] : memref<64x1000000xf32, #tpu.memory_space<hbm>> -> memref<64x128xf32, #tpu.memory_space<hbm>>
      %dma_wait3A_495 = arith.constant 0 : i32
      %dma_wait3A_496 = arith.constant 0 : i32
      %dma_wait3A_497 = tpu.memref_slice %arg6[%dma_wait3A_487, %dma_wait3A_495, %dma_wait3A_496] : memref<12x64x128xf32, #tpu.memory_space<vmem>> -> memref<1x64x128xf32, #tpu.memory_space<vmem>>
      %dma_wait3A_498 = tpu.memref_squeeze %dma_wait3A_497 : memref<1x64x128xf32, #tpu.memory_space<vmem>> -> memref<64x128xf32, #tpu.memory_space<vmem>>
      %dma_wait3A_499 = arith.constant 0 : i32
      %dma_wait3A_500 = arith.constant 0 : i32
      %dma_wait3A_501 = tpu.memref_slice %arg3[%dma_wait3A_499, %dma_wait3A_500] : memref<64x1000000xf32, #tpu.memory_space<hbm>> -> memref<64x128xf32, #tpu.memory_space<hbm>>
      tpu.wait_dma2 semaphore(%arg8 : memref<!tpu.dma_semaphore, #tpu.memory_space<semaphore_mem>>) src(%dma_wait3A_501 : memref<64x128xf32, #tpu.memory_space<hbm>>) dst(%dma_wait3A_498 : memref<64x128xf32, #tpu.memory_space<vmem>>)
      %dma_wait3A_502 = arith.constant 0 : i32
      %dma_wait3A_503 = arith.constant 0 : i32
      %dma_wait3A_504 = arith.constant 0 : i32
      %dma_wait3A_505 = tpu.memref_slice %arg6[%dma_wait3A_502, %dma_wait3A_503, %dma_wait3A_504] : memref<12x64x128xf32, #tpu.memory_space<vmem>> -> memref<1x64x128xf32, #tpu.memory_space<vmem>>
      %dma_wait3A_506 = tpu.memref_squeeze %dma_wait3A_505 : memref<1x64x128xf32, #tpu.memory_space<vmem>> -> memref<64x128xf32, #tpu.memory_space<vmem>>
      %dma_wait3A_507 = arith.constant 0 : i32
      %dma_wait3A_508 = arith.constant 0 : i32
      %dma_wait3A_509 = tpu.memref_slice %arg3[%dma_wait3A_507, %dma_wait3A_508] : memref<64x1000000xf32, #tpu.memory_space<hbm>> -> memref<64x128xf32, #tpu.memory_space<hbm>>
      %dma_wait3A_510 = arith.constant 0 : i32
      %dma_wait3A_511 = arith.constant 0 : i32
      %dma_wait3A_512 = tpu.memref_slice %arg6[%dma_wait3A_502, %dma_wait3A_510, %dma_wait3A_511] : memref<12x64x128xf32, #tpu.memory_space<vmem>> -> memref<1x64x128xf32, #tpu.memory_space<vmem>>
      %dma_wait3A_513 = tpu.memref_squeeze %dma_wait3A_512 : memref<1x64x128xf32, #tpu.memory_space<vmem>> -> memref<64x128xf32, #tpu.memory_space<vmem>>
      %dma_wait3A_514 = arith.constant 0 : i32
      %dma_wait3A_515 = arith.constant 0 : i32
      %dma_wait3A_516 = tpu.memref_slice %arg3[%dma_wait3A_514, %dma_wait3A_515] : memref<64x1000000xf32, #tpu.memory_space<hbm>> -> memref<64x128xf32, #tpu.memory_space<hbm>>
      tpu.wait_dma2 semaphore(%arg8 : memref<!tpu.dma_semaphore, #tpu.memory_space<semaphore_mem>>) src(%dma_wait3A_516 : memref<64x128xf32, #tpu.memory_space<hbm>>) dst(%dma_wait3A_513 : memref<64x128xf32, #tpu.memory_space<vmem>>)
      %dma_wait3A_517 = arith.constant 0 : i32
      %dma_wait3A_518 = arith.constant 0 : i32
      %dma_wait3A_519 = arith.constant 0 : i32
      %dma_wait3A_520 = tpu.memref_slice %arg6[%dma_wait3A_517, %dma_wait3A_518, %dma_wait3A_519] : memref<12x64x128xf32, #tpu.memory_space<vmem>> -> memref<1x64x128xf32, #tpu.memory_space<vmem>>
      %dma_wait3A_521 = tpu.memref_squeeze %dma_wait3A_520 : memref<1x64x128xf32, #tpu.memory_space<vmem>> -> memref<64x128xf32, #tpu.memory_space<vmem>>
      %dma_wait3A_522 = arith.constant 0 : i32
      %dma_wait3A_523 = arith.constant 0 : i32
      %dma_wait3A_524 = tpu.memref_slice %arg3[%dma_wait3A_522, %dma_wait3A_523] : memref<64x1000000xf32, #tpu.memory_space<hbm>> -> memref<64x128xf32, #tpu.memory_space<hbm>>
      %dma_wait3A_525 = arith.constant 0 : i32
      %dma_wait3A_526 = arith.constant 0 : i32
      %dma_wait3A_527 = tpu.memref_slice %arg6[%dma_wait3A_517, %dma_wait3A_525, %dma_wait3A_526] : memref<12x64x128xf32, #tpu.memory_space<vmem>> -> memref<1x64x128xf32, #tpu.memory_space<vmem>>
      %dma_wait3A_528 = tpu.memref_squeeze %dma_wait3A_527 : memref<1x64x128xf32, #tpu.memory_space<vmem>> -> memref<64x128xf32, #tpu.memory_space<vmem>>
      %dma_wait3A_529 = arith.constant 0 : i32
      %dma_wait3A_530 = arith.constant 0 : i32
      %dma_wait3A_531 = tpu.memref_slice %arg3[%dma_wait3A_529, %dma_wait3A_530] : memref<64x1000000xf32, #tpu.memory_space<hbm>> -> memref<64x128xf32, #tpu.memory_space<hbm>>
      tpu.wait_dma2 semaphore(%arg8 : memref<!tpu.dma_semaphore, #tpu.memory_space<semaphore_mem>>) src(%dma_wait3A_531 : memref<64x128xf32, #tpu.memory_space<hbm>>) dst(%dma_wait3A_528 : memref<64x128xf32, #tpu.memory_space<vmem>>)
      %dma_wait3A_532 = arith.constant 0 : i32
      %dma_wait3A_533 = arith.constant 0 : i32
      %dma_wait3A_534 = arith.constant 0 : i32
      %dma_wait3A_535 = tpu.memref_slice %arg6[%dma_wait3A_532, %dma_wait3A_533, %dma_wait3A_534] : memref<12x64x128xf32, #tpu.memory_space<vmem>> -> memref<1x64x128xf32, #tpu.memory_space<vmem>>
      %dma_wait3A_536 = tpu.memref_squeeze %dma_wait3A_535 : memref<1x64x128xf32, #tpu.memory_space<vmem>> -> memref<64x128xf32, #tpu.memory_space<vmem>>
      %dma_wait3A_537 = arith.constant 0 : i32
      %dma_wait3A_538 = arith.constant 0 : i32
      %dma_wait3A_539 = tpu.memref_slice %arg3[%dma_wait3A_537, %dma_wait3A_538] : memref<64x1000000xf32, #tpu.memory_space<hbm>> -> memref<64x128xf32, #tpu.memory_space<hbm>>
      %dma_wait3A_540 = arith.constant 0 : i32
      %dma_wait3A_541 = arith.constant 0 : i32
      %dma_wait3A_542 = tpu.memref_slice %arg6[%dma_wait3A_532, %dma_wait3A_540, %dma_wait3A_541] : memref<12x64x128xf32, #tpu.memory_space<vmem>> -> memref<1x64x128xf32, #tpu.memory_space<vmem>>
      %dma_wait3A_543 = tpu.memref_squeeze %dma_wait3A_542 : memref<1x64x128xf32, #tpu.memory_space<vmem>> -> memref<64x128xf32, #tpu.memory_space<vmem>>
      %dma_wait3A_544 = arith.constant 0 : i32
      %dma_wait3A_545 = arith.constant 0 : i32
      %dma_wait3A_546 = tpu.memref_slice %arg3[%dma_wait3A_544, %dma_wait3A_545] : memref<64x1000000xf32, #tpu.memory_space<hbm>> -> memref<64x128xf32, #tpu.memory_space<hbm>>
      tpu.wait_dma2 semaphore(%arg8 : memref<!tpu.dma_semaphore, #tpu.memory_space<semaphore_mem>>) src(%dma_wait3A_546 : memref<64x128xf32, #tpu.memory_space<hbm>>) dst(%dma_wait3A_543 : memref<64x128xf32, #tpu.memory_space<vmem>>)
      %slice3A_547 = vector.extract_strided_slice %and3A_18 {offsets = [4], sizes = [1], strides = [1]} : vector<16xi32> to vector<1xi32>
      %squeeze3A_548 = vector.extract %slice3A_547[0] : i32 from vector<1xi32>
      %broadcast_in_dim3A_549 = arith.constant 0 : i32
      %broadcast_in_dim3A_550 = vector.broadcast %broadcast_in_dim3A_549 : i32 to vector<16xi32>
      %add3A_551 = vector.broadcast %squeeze3A_548 : i32 to vector<16xi32>
      %add3A_552 = arith.addi %broadcast_in_dim3A_550, %add3A_551 : vector<16xi32>
      %broadcast_in_dim3A_553 = arith.constant 4 : i32
      %broadcast_in_dim3A_554 = vector.broadcast %broadcast_in_dim3A_553 : i32 to vector<16xi32>
      %add3A_555 = arith.constant 0 : i32
      %add3A_556 = vector.broadcast %add3A_555 : i32 to vector<16xi32>
      %add3A_557 = arith.addi %iota3A, %add3A_556 : vector<16xi32>
      %gather3A_558 = tpu.vector_load_idx %arg6[%broadcast_in_dim3A_554, %add3A_557, %add3A_552] : memref<12x64x128xf32, #tpu.memory_space<vmem>>[vector<16xi32>, vector<16xi32>, vector<16xi32>], vector<16xf32>,
      %swap3A_559 = arith.constant 4 : i32
      %swap3A_560 = arith.index_cast %swap3A_559 : i32 to index
      %swap3A_561 = arith.constant 0 : index
      %swap3A_562 = tpu.vector_load %arg7[%swap3A_560, %swap3A_561] {strides = array<i32>} : memref<16x64xf32, #tpu.memory_space<vmem>>, vector<16xf32>,
      tpu.vector_store %arg7[%swap3A_560, %swap3A_561], %gather3A_558 {strides = array<i32>} : memref<16x64xf32, #tpu.memory_space<vmem>>, vector<16xf32>,
      %add3A_563 = arith.constant 16 : i32
      %add3A_564 = vector.broadcast %add3A_563 : i32 to vector<16xi32>
      %add3A_565 = arith.addi %iota3A, %add3A_564 : vector<16xi32>
      %gather3A_566 = tpu.vector_load_idx %arg6[%broadcast_in_dim3A_554, %add3A_565, %add3A_552] : memref<12x64x128xf32, #tpu.memory_space<vmem>>[vector<16xi32>, vector<16xi32>, vector<16xi32>], vector<16xf32>,
      %swap3A_567 = arith.constant 4 : i32
      %swap3A_568 = arith.index_cast %swap3A_567 : i32 to index
      %swap3A_569 = arith.constant 16 : index
      %swap3A_570 = tpu.vector_load %arg7[%swap3A_568, %swap3A_569] {strides = array<i32>} : memref<16x64xf32, #tpu.memory_space<vmem>>, vector<16xf32>,
      tpu.vector_store %arg7[%swap3A_568, %swap3A_569], %gather3A_566 {strides = array<i32>} : memref<16x64xf32, #tpu.memory_space<vmem>>, vector<16xf32>,
      %add3A_571 = arith.constant 32 : i32
      %add3A_572 = vector.broadcast %add3A_571 : i32 to vector<16xi32>
      %add3A_573 = arith.addi %iota3A, %add3A_572 : vector<16xi32>
      %gather3A_574 = tpu.vector_load_idx %arg6[%broadcast_in_dim3A_554, %add3A_573, %add3A_552] : memref<12x64x128xf32, #tpu.memory_space<vmem>>[vector<16xi32>, vector<16xi32>, vector<16xi32>], vector<16xf32>,
      %swap3A_575 = arith.constant 4 : i32
      %swap3A_576 = arith.index_cast %swap3A_575 : i32 to index
      %swap3A_577 = arith.constant 32 : index
      %swap3A_578 = tpu.vector_load %arg7[%swap3A_576, %swap3A_577] {strides = array<i32>} : memref<16x64xf32, #tpu.memory_space<vmem>>, vector<16xf32>,
      tpu.vector_store %arg7[%swap3A_576, %swap3A_577], %gather3A_574 {strides = array<i32>} : memref<16x64xf32, #tpu.memory_space<vmem>>, vector<16xf32>,
      %add3A_579 = arith.constant 48 : i32
      %add3A_580 = vector.broadcast %add3A_579 : i32 to vector<16xi32>
      %add3A_581 = arith.addi %iota3A, %add3A_580 : vector<16xi32>
      %gather3A_582 = tpu.vector_load_idx %arg6[%broadcast_in_dim3A_554, %add3A_581, %add3A_552] : memref<12x64x128xf32, #tpu.memory_space<vmem>>[vector<16xi32>, vector<16xi32>, vector<16xi32>], vector<16xf32>,
      %swap3A_583 = arith.constant 4 : i32
      %swap3A_584 = arith.index_cast %swap3A_583 : i32 to index
      %swap3A_585 = arith.constant 48 : index
      %swap3A_586 = tpu.vector_load %arg7[%swap3A_584, %swap3A_585] {strides = array<i32>} : memref<16x64xf32, #tpu.memory_space<vmem>>, vector<16xf32>,
      tpu.vector_store %arg7[%swap3A_584, %swap3A_585], %gather3A_582 {strides = array<i32>} : memref<16x64xf32, #tpu.memory_space<vmem>>, vector<16xf32>,
      %slice3A_587 = vector.extract_strided_slice %and3A_18 {offsets = [5], sizes = [1], strides = [1]} : vector<16xi32> to vector<1xi32>
      %squeeze3A_588 = vector.extract %slice3A_587[0] : i32 from vector<1xi32>
      %broadcast_in_dim3A_589 = arith.constant 0 : i32
      %broadcast_in_dim3A_590 = vector.broadcast %broadcast_in_dim3A_589 : i32 to vector<16xi32>
      %add3A_591 = vector.broadcast %squeeze3A_588 : i32 to vector<16xi32>
      %add3A_592 = arith.addi %broadcast_in_dim3A_590, %add3A_591 : vector<16xi32>
      %broadcast_in_dim3A_593 = arith.constant 5 : i32
      %broadcast_in_dim3A_594 = vector.broadcast %broadcast_in_dim3A_593 : i32 to vector<16xi32>
      %add3A_595 = arith.constant 0 : i32
      %add3A_596 = vector.broadcast %add3A_595 : i32 to vector<16xi32>
      %add3A_597 = arith.addi %iota3A, %add3A_596 : vector<16xi32>
      %gather3A_598 = tpu.vector_load_idx %arg6[%broadcast_in_dim3A_594, %add3A_597, %add3A_592] : memref<12x64x128xf32, #tpu.memory_space<vmem>>[vector<16xi32>, vector<16xi32>, vector<16xi32>], vector<16xf32>,
      %swap3A_599 = arith.constant 5 : i32
      %swap3A_600 = arith.index_cast %swap3A_599 : i32 to index
      %swap3A_601 = arith.constant 0 : index
      %swap3A_602 = tpu.vector_load %arg7[%swap3A_600, %swap3A_601] {strides = array<i32>} : memref<16x64xf32, #tpu.memory_space<vmem>>, vector<16xf32>,
      tpu.vector_store %arg7[%swap3A_600, %swap3A_601], %gather3A_598 {strides = array<i32>} : memref<16x64xf32, #tpu.memory_space<vmem>>, vector<16xf32>,
      %add3A_603 = arith.constant 16 : i32
      %add3A_604 = vector.broadcast %add3A_603 : i32 to vector<16xi32>
      %add3A_605 = arith.addi %iota3A, %add3A_604 : vector<16xi32>
      %gather3A_606 = tpu.vector_load_idx %arg6[%broadcast_in_dim3A_594, %add3A_605, %add3A_592] : memref<12x64x128xf32, #tpu.memory_space<vmem>>[vector<16xi32>, vector<16xi32>, vector<16xi32>], vector<16xf32>,
      %swap3A_607 = arith.constant 5 : i32
      %swap3A_608 = arith.index_cast %swap3A_607 : i32 to index
      %swap3A_609 = arith.constant 16 : index
      %swap3A_610 = tpu.vector_load %arg7[%swap3A_608, %swap3A_609] {strides = array<i32>} : memref<16x64xf32, #tpu.memory_space<vmem>>, vector<16xf32>,
      tpu.vector_store %arg7[%swap3A_608, %swap3A_609], %gather3A_606 {strides = array<i32>} : memref<16x64xf32, #tpu.memory_space<vmem>>, vector<16xf32>,
      %add3A_611 = arith.constant 32 : i32
      %add3A_612 = vector.broadcast %add3A_611 : i32 to vector<16xi32>
      %add3A_613 = arith.addi %iota3A, %add3A_612 : vector<16xi32>
      %gather3A_614 = tpu.vector_load_idx %arg6[%broadcast_in_dim3A_594, %add3A_613, %add3A_592] : memref<12x64x128xf32, #tpu.memory_space<vmem>>[vector<16xi32>, vector<16xi32>, vector<16xi32>], vector<16xf32>,
      %swap3A_615 = arith.constant 5 : i32
      %swap3A_616 = arith.index_cast %swap3A_615 : i32 to index
      %swap3A_617 = arith.constant 32 : index
      %swap3A_618 = tpu.vector_load %arg7[%swap3A_616, %swap3A_617] {strides = array<i32>} : memref<16x64xf32, #tpu.memory_space<vmem>>, vector<16xf32>,
      tpu.vector_store %arg7[%swap3A_616, %swap3A_617], %gather3A_614 {strides = array<i32>} : memref<16x64xf32, #tpu.memory_space<vmem>>, vector<16xf32>,
      %add3A_619 = arith.constant 48 : i32
      %add3A_620 = vector.broadcast %add3A_619 : i32 to vector<16xi32>
      %add3A_621 = arith.addi %iota3A, %add3A_620 : vector<16xi32>
      %gather3A_622 = tpu.vector_load_idx %arg6[%broadcast_in_dim3A_594, %add3A_621, %add3A_592] : memref<12x64x128xf32, #tpu.memory_space<vmem>>[vector<16xi32>, vector<16xi32>, vector<16xi32>], vector<16xf32>,
      %swap3A_623 = arith.constant 5 : i32
      %swap3A_624 = arith.index_cast %swap3A_623 : i32 to index
      %swap3A_625 = arith.constant 48 : index
      %swap3A_626 = tpu.vector_load %arg7[%swap3A_624, %swap3A_625] {strides = array<i32>} : memref<16x64xf32, #tpu.memory_space<vmem>>, vector<16xf32>,
      tpu.vector_store %arg7[%swap3A_624, %swap3A_625], %gather3A_622 {strides = array<i32>} : memref<16x64xf32, #tpu.memory_space<vmem>>, vector<16xf32>,
      %slice3A_627 = vector.extract_strided_slice %and3A_18 {offsets = [6], sizes = [1], strides = [1]} : vector<16xi32> to vector<1xi32>
      %squeeze3A_628 = vector.extract %slice3A_627[0] : i32 from vector<1xi32>
      %broadcast_in_dim3A_629 = arith.constant 0 : i32
      %broadcast_in_dim3A_630 = vector.broadcast %broadcast_in_dim3A_629 : i32 to vector<16xi32>
      %add3A_631 = vector.broadcast %squeeze3A_628 : i32 to vector<16xi32>
      %add3A_632 = arith.addi %broadcast_in_dim3A_630, %add3A_631 : vector<16xi32>
      %broadcast_in_dim3A_633 = arith.constant 6 : i32
      %broadcast_in_dim3A_634 = vector.broadcast %broadcast_in_dim3A_633 : i32 to vector<16xi32>
      %add3A_635 = arith.constant 0 : i32
      %add3A_636 = vector.broadcast %add3A_635 : i32 to vector<16xi32>
      %add3A_637 = arith.addi %iota3A, %add3A_636 : vector<16xi32>
      %gather3A_638 = tpu.vector_load_idx %arg6[%broadcast_in_dim3A_634, %add3A_637, %add3A_632] : memref<12x64x128xf32, #tpu.memory_space<vmem>>[vector<16xi32>, vector<16xi32>, vector<16xi32>], vector<16xf32>,
      %swap3A_639 = arith.constant 6 : i32
      %swap3A_640 = arith.index_cast %swap3A_639 : i32 to index
      %swap3A_641 = arith.constant 0 : index
      %swap3A_642 = tpu.vector_load %arg7[%swap3A_640, %swap3A_641] {strides = array<i32>} : memref<16x64xf32, #tpu.memory_space<vmem>>, vector<16xf32>,
      tpu.vector_store %arg7[%swap3A_640, %swap3A_641], %gather3A_638 {strides = array<i32>} : memref<16x64xf32, #tpu.memory_space<vmem>>, vector<16xf32>,
      %add3A_643 = arith.constant 16 : i32
      %add3A_644 = vector.broadcast %add3A_643 : i32 to vector<16xi32>
      %add3A_645 = arith.addi %iota3A, %add3A_644 : vector<16xi32>
      %gather3A_646 = tpu.vector_load_idx %arg6[%broadcast_in_dim3A_634, %add3A_645, %add3A_632] : memref<12x64x128xf32, #tpu.memory_space<vmem>>[vector<16xi32>, vector<16xi32>, vector<16xi32>], vector<16xf32>,
      %swap3A_647 = arith.constant 6 : i32
      %swap3A_648 = arith.index_cast %swap3A_647 : i32 to index
      %swap3A_649 = arith.constant 16 : index
      %swap3A_650 = tpu.vector_load %arg7[%swap3A_648, %swap3A_649] {strides = array<i32>} : memref<16x64xf32, #tpu.memory_space<vmem>>, vector<16xf32>,
      tpu.vector_store %arg7[%swap3A_648, %swap3A_649], %gather3A_646 {strides = array<i32>} : memref<16x64xf32, #tpu.memory_space<vmem>>, vector<16xf32>,
      %add3A_651 = arith.constant 32 : i32
      %add3A_652 = vector.broadcast %add3A_651 : i32 to vector<16xi32>
      %add3A_653 = arith.addi %iota3A, %add3A_652 : vector<16xi32>
      %gather3A_654 = tpu.vector_load_idx %arg6[%broadcast_in_dim3A_634, %add3A_653, %add3A_632] : memref<12x64x128xf32, #tpu.memory_space<vmem>>[vector<16xi32>, vector<16xi32>, vector<16xi32>], vector<16xf32>,
      %swap3A_655 = arith.constant 6 : i32
      %swap3A_656 = arith.index_cast %swap3A_655 : i32 to index
      %swap3A_657 = arith.constant 32 : index
      %swap3A_658 = tpu.vector_load %arg7[%swap3A_656, %swap3A_657] {strides = array<i32>} : memref<16x64xf32, #tpu.memory_space<vmem>>, vector<16xf32>,
      tpu.vector_store %arg7[%swap3A_656, %swap3A_657], %gather3A_654 {strides = array<i32>} : memref<16x64xf32, #tpu.memory_space<vmem>>, vector<16xf32>,
      %add3A_659 = arith.constant 48 : i32
      %add3A_660 = vector.broadcast %add3A_659 : i32 to vector<16xi32>
      %add3A_661 = arith.addi %iota3A, %add3A_660 : vector<16xi32>
      %gather3A_662 = tpu.vector_load_idx %arg6[%broadcast_in_dim3A_634, %add3A_661, %add3A_632] : memref<12x64x128xf32, #tpu.memory_space<vmem>>[vector<16xi32>, vector<16xi32>, vector<16xi32>], vector<16xf32>,
      %swap3A_663 = arith.constant 6 : i32
      %swap3A_664 = arith.index_cast %swap3A_663 : i32 to index
      %swap3A_665 = arith.constant 48 : index
      %swap3A_666 = tpu.vector_load %arg7[%swap3A_664, %swap3A_665] {strides = array<i32>} : memref<16x64xf32, #tpu.memory_space<vmem>>, vector<16xf32>,
      tpu.vector_store %arg7[%swap3A_664, %swap3A_665], %gather3A_662 {strides = array<i32>} : memref<16x64xf32, #tpu.memory_space<vmem>>, vector<16xf32>,
      %slice3A_667 = vector.extract_strided_slice %and3A_18 {offsets = [7], sizes = [1], strides = [1]} : vector<16xi32> to vector<1xi32>
      %squeeze3A_668 = vector.extract %slice3A_667[0] : i32 from vector<1xi32>
      %broadcast_in_dim3A_669 = arith.constant 0 : i32
      %broadcast_in_dim3A_670 = vector.broadcast %broadcast_in_dim3A_669 : i32 to vector<16xi32>
      %add3A_671 = vector.broadcast %squeeze3A_668 : i32 to vector<16xi32>
      %add3A_672 = arith.addi %broadcast_in_dim3A_670, %add3A_671 : vector<16xi32>
      %broadcast_in_dim3A_673 = arith.constant 7 : i32
      %broadcast_in_dim3A_674 = vector.broadcast %broadcast_in_dim3A_673 : i32 to vector<16xi32>
      %add3A_675 = arith.constant 0 : i32
      %add3A_676 = vector.broadcast %add3A_675 : i32 to vector<16xi32>
      %add3A_677 = arith.addi %iota3A, %add3A_676 : vector<16xi32>
      %gather3A_678 = tpu.vector_load_idx %arg6[%broadcast_in_dim3A_674, %add3A_677, %add3A_672] : memref<12x64x128xf32, #tpu.memory_space<vmem>>[vector<16xi32>, vector<16xi32>, vector<16xi32>], vector<16xf32>,
      %swap3A_679 = arith.constant 7 : i32
      %swap3A_680 = arith.index_cast %swap3A_679 : i32 to index
      %swap3A_681 = arith.constant 0 : index
      %swap3A_682 = tpu.vector_load %arg7[%swap3A_680, %swap3A_681] {strides = array<i32>} : memref<16x64xf32, #tpu.memory_space<vmem>>, vector<16xf32>,
      tpu.vector_store %arg7[%swap3A_680, %swap3A_681], %gather3A_678 {strides = array<i32>} : memref<16x64xf32, #tpu.memory_space<vmem>>, vector<16xf32>,
      %add3A_683 = arith.constant 16 : i32
      %add3A_684 = vector.broadcast %add3A_683 : i32 to vector<16xi32>
      %add3A_685 = arith.addi %iota3A, %add3A_684 : vector<16xi32>
      %gather3A_686 = tpu.vector_load_idx %arg6[%broadcast_in_dim3A_674, %add3A_685, %add3A_672] : memref<12x64x128xf32, #tpu.memory_space<vmem>>[vector<16xi32>, vector<16xi32>, vector<16xi32>], vector<16xf32>,
      %swap3A_687 = arith.constant 7 : i32
      %swap3A_688 = arith.index_cast %swap3A_687 : i32 to index
      %swap3A_689 = arith.constant 16 : index
      %swap3A_690 = tpu.vector_load %arg7[%swap3A_688, %swap3A_689] {strides = array<i32>} : memref<16x64xf32, #tpu.memory_space<vmem>>, vector<16xf32>,
      tpu.vector_store %arg7[%swap3A_688, %swap3A_689], %gather3A_686 {strides = array<i32>} : memref<16x64xf32, #tpu.memory_space<vmem>>, vector<16xf32>,
      %add3A_691 = arith.constant 32 : i32
      %add3A_692 = vector.broadcast %add3A_691 : i32 to vector<16xi32>
      %add3A_693 = arith.addi %iota3A, %add3A_692 : vector<16xi32>
      %gather3A_694 = tpu.vector_load_idx %arg6[%broadcast_in_dim3A_674, %add3A_693, %add3A_672] : memref<12x64x128xf32, #tpu.memory_space<vmem>>[vector<16xi32>, vector<16xi32>, vector<16xi32>], vector<16xf32>,
      %swap3A_695 = arith.constant 7 : i32
      %swap3A_696 = arith.index_cast %swap3A_695 : i32 to index
      %swap3A_697 = arith.constant 32 : index
      %swap3A_698 = tpu.vector_load %arg7[%swap3A_696, %swap3A_697] {strides = array<i32>} : memref<16x64xf32, #tpu.memory_space<vmem>>, vector<16xf32>,
      tpu.vector_store %arg7[%swap3A_696, %swap3A_697], %gather3A_694 {strides = array<i32>} : memref<16x64xf32, #tpu.memory_space<vmem>>, vector<16xf32>,
      %add3A_699 = arith.constant 48 : i32
      %add3A_700 = vector.broadcast %add3A_699 : i32 to vector<16xi32>
      %add3A_701 = arith.addi %iota3A, %add3A_700 : vector<16xi32>
      %gather3A_702 = tpu.vector_load_idx %arg6[%broadcast_in_dim3A_674, %add3A_701, %add3A_672] : memref<12x64x128xf32, #tpu.memory_space<vmem>>[vector<16xi32>, vector<16xi32>, vector<16xi32>], vector<16xf32>,
      %swap3A_703 = arith.constant 7 : i32
      %swap3A_704 = arith.index_cast %swap3A_703 : i32 to index
      %swap3A_705 = arith.constant 48 : index
      %swap3A_706 = tpu.vector_load %arg7[%swap3A_704, %swap3A_705] {strides = array<i32>} : memref<16x64xf32, #tpu.memory_space<vmem>>, vector<16xf32>,
      tpu.vector_store %arg7[%swap3A_704, %swap3A_705], %gather3A_702 {strides = array<i32>} : memref<16x64xf32, #tpu.memory_space<vmem>>, vector<16xf32>,
      %dma_wait3A_707 = arith.constant 0 : i32
      %dma_wait3A_708 = arith.constant 0 : i32
      %dma_wait3A_709 = arith.constant 0 : i32
      %dma_wait3A_710 = tpu.memref_slice %arg6[%dma_wait3A_707, %dma_wait3A_708, %dma_wait3A_709] : memref<12x64x128xf32, #tpu.memory_space<vmem>> -> memref<1x64x128xf32, #tpu.memory_space<vmem>>
      %dma_wait3A_711 = tpu.memref_squeeze %dma_wait3A_710 : memref<1x64x128xf32, #tpu.memory_space<vmem>> -> memref<64x128xf32, #tpu.memory_space<vmem>>
      %dma_wait3A_712 = arith.constant 0 : i32
      %dma_wait3A_713 = arith.constant 0 : i32
      %dma_wait3A_714 = tpu.memref_slice %arg3[%dma_wait3A_712, %dma_wait3A_713] : memref<64x1000000xf32, #tpu.memory_space<hbm>> -> memref<64x128xf32, #tpu.memory_space<hbm>>
      %dma_wait3A_715 = arith.constant 0 : i32
      %dma_wait3A_716 = arith.constant 0 : i32
      %dma_wait3A_717 = tpu.memref_slice %arg6[%dma_wait3A_707, %dma_wait3A_715, %dma_wait3A_716] : memref<12x64x128xf32, #tpu.memory_space<vmem>> -> memref<1x64x128xf32, #tpu.memory_space<vmem>>
      %dma_wait3A_718 = tpu.memref_squeeze %dma_wait3A_717 : memref<1x64x128xf32, #tpu.memory_space<vmem>> -> memref<64x128xf32, #tpu.memory_space<vmem>>
      %dma_wait3A_719 = arith.constant 0 : i32
      %dma_wait3A_720 = arith.constant 0 : i32
      %dma_wait3A_721 = tpu.memref_slice %arg3[%dma_wait3A_719, %dma_wait3A_720] : memref<64x1000000xf32, #tpu.memory_space<hbm>> -> memref<64x128xf32, #tpu.memory_space<hbm>>
      tpu.wait_dma2 semaphore(%arg8 : memref<!tpu.dma_semaphore, #tpu.memory_space<semaphore_mem>>) src(%dma_wait3A_721 : memref<64x128xf32, #tpu.memory_space<hbm>>) dst(%dma_wait3A_718 : memref<64x128xf32, #tpu.memory_space<vmem>>)
      %dma_wait3A_722 = arith.constant 0 : i32
      %dma_wait3A_723 = arith.constant 0 : i32
      %dma_wait3A_724 = arith.constant 0 : i32
      %dma_wait3A_725 = tpu.memref_slice %arg6[%dma_wait3A_722, %dma_wait3A_723, %dma_wait3A_724] : memref<12x64x128xf32, #tpu.memory_space<vmem>> -> memref<1x64x128xf32, #tpu.memory_space<vmem>>
      %dma_wait3A_726 = tpu.memref_squeeze %dma_wait3A_725 : memref<1x64x128xf32, #tpu.memory_space<vmem>> -> memref<64x128xf32, #tpu.memory_space<vmem>>
      %dma_wait3A_727 = arith.constant 0 : i32
      %dma_wait3A_728 = arith.constant 0 : i32
      %dma_wait3A_729 = tpu.memref_slice %arg3[%dma_wait3A_727, %dma_wait3A_728] : memref<64x1000000xf32, #tpu.memory_space<hbm>> -> memref<64x128xf32, #tpu.memory_space<hbm>>
      %dma_wait3A_730 = arith.constant 0 : i32
      %dma_wait3A_731 = arith.constant 0 : i32
      %dma_wait3A_732 = tpu.memref_slice %arg6[%dma_wait3A_722, %dma_wait3A_730, %dma_wait3A_731] : memref<12x64x128xf32, #tpu.memory_space<vmem>> -> memref<1x64x128xf32, #tpu.memory_space<vmem>>
      %dma_wait3A_733 = tpu.memref_squeeze %dma_wait3A_732 : memref<1x64x128xf32, #tpu.memory_space<vmem>> -> memref<64x128xf32, #tpu.memory_space<vmem>>
      %dma_wait3A_734 = arith.constant 0 : i32
      %dma_wait3A_735 = arith.constant 0 : i32
      %dma_wait3A_736 = tpu.memref_slice %arg3[%dma_wait3A_734, %dma_wait3A_735] : memref<64x1000000xf32, #tpu.memory_space<hbm>> -> memref<64x128xf32, #tpu.memory_space<hbm>>
      tpu.wait_dma2 semaphore(%arg8 : memref<!tpu.dma_semaphore, #tpu.memory_space<semaphore_mem>>) src(%dma_wait3A_736 : memref<64x128xf32, #tpu.memory_space<hbm>>) dst(%dma_wait3A_733 : memref<64x128xf32, #tpu.memory_space<vmem>>)
      %dma_wait3A_737 = arith.constant 0 : i32
      %dma_wait3A_738 = arith.constant 0 : i32
      %dma_wait3A_739 = arith.constant 0 : i32
      %dma_wait3A_740 = tpu.memref_slice %arg6[%dma_wait3A_737, %dma_wait3A_738, %dma_wait3A_739] : memref<12x64x128xf32, #tpu.memory_space<vmem>> -> memref<1x64x128xf32, #tpu.memory_space<vmem>>
      %dma_wait3A_741 = tpu.memref_squeeze %dma_wait3A_740 : memref<1x64x128xf32, #tpu.memory_space<vmem>> -> memref<64x128xf32, #tpu.memory_space<vmem>>
      %dma_wait3A_742 = arith.constant 0 : i32
      %dma_wait3A_743 = arith.constant 0 : i32
      %dma_wait3A_744 = tpu.memref_slice %arg3[%dma_wait3A_742, %dma_wait3A_743] : memref<64x1000000xf32, #tpu.memory_space<hbm>> -> memref<64x128xf32, #tpu.memory_space<hbm>>
      %dma_wait3A_745 = arith.constant 0 : i32
      %dma_wait3A_746 = arith.constant 0 : i32
      %dma_wait3A_747 = tpu.memref_slice %arg6[%dma_wait3A_737, %dma_wait3A_745, %dma_wait3A_746] : memref<12x64x128xf32, #tpu.memory_space<vmem>> -> memref<1x64x128xf32, #tpu.memory_space<vmem>>
      %dma_wait3A_748 = tpu.memref_squeeze %dma_wait3A_747 : memref<1x64x128xf32, #tpu.memory_space<vmem>> -> memref<64x128xf32, #tpu.memory_space<vmem>>
      %dma_wait3A_749 = arith.constant 0 : i32
      %dma_wait3A_750 = arith.constant 0 : i32
      %dma_wait3A_751 = tpu.memref_slice %arg3[%dma_wait3A_749, %dma_wait3A_750] : memref<64x1000000xf32, #tpu.memory_space<hbm>> -> memref<64x128xf32, #tpu.memory_space<hbm>>
      tpu.wait_dma2 semaphore(%arg8 : memref<!tpu.dma_semaphore, #tpu.memory_space<semaphore_mem>>) src(%dma_wait3A_751 : memref<64x128xf32, #tpu.memory_space<hbm>>) dst(%dma_wait3A_748 : memref<64x128xf32, #tpu.memory_space<vmem>>)
      %dma_wait3A_752 = arith.constant 0 : i32
      %dma_wait3A_753 = arith.constant 0 : i32
      %dma_wait3A_754 = arith.constant 0 : i32
      %dma_wait3A_755 = tpu.memref_slice %arg6[%dma_wait3A_752, %dma_wait3A_753, %dma_wait3A_754] : memref<12x64x128xf32, #tpu.memory_space<vmem>> -> memref<1x64x128xf32, #tpu.memory_space<vmem>>
      %dma_wait3A_756 = tpu.memref_squeeze %dma_wait3A_755 : memref<1x64x128xf32, #tpu.memory_space<vmem>> -> memref<64x128xf32, #tpu.memory_space<vmem>>
      %dma_wait3A_757 = arith.constant 0 : i32
      %dma_wait3A_758 = arith.constant 0 : i32
      %dma_wait3A_759 = tpu.memref_slice %arg3[%dma_wait3A_757, %dma_wait3A_758] : memref<64x1000000xf32, #tpu.memory_space<hbm>> -> memref<64x128xf32, #tpu.memory_space<hbm>>
      %dma_wait3A_760 = arith.constant 0 : i32
      %dma_wait3A_761 = arith.constant 0 : i32
      %dma_wait3A_762 = tpu.memref_slice %arg6[%dma_wait3A_752, %dma_wait3A_760, %dma_wait3A_761] : memref<12x64x128xf32, #tpu.memory_space<vmem>> -> memref<1x64x128xf32, #tpu.memory_space<vmem>>
      %dma_wait3A_763 = tpu.memref_squeeze %dma_wait3A_762 : memref<1x64x128xf32, #tpu.memory_space<vmem>> -> memref<64x128xf32, #tpu.memory_space<vmem>>
      %dma_wait3A_764 = arith.constant 0 : i32
      %dma_wait3A_765 = arith.constant 0 : i32
      %dma_wait3A_766 = tpu.memref_slice %arg3[%dma_wait3A_764, %dma_wait3A_765] : memref<64x1000000xf32, #tpu.memory_space<hbm>> -> memref<64x128xf32, #tpu.memory_space<hbm>>
      tpu.wait_dma2 semaphore(%arg8 : memref<!tpu.dma_semaphore, #tpu.memory_space<semaphore_mem>>) src(%dma_wait3A_766 : memref<64x128xf32, #tpu.memory_space<hbm>>) dst(%dma_wait3A_763 : memref<64x128xf32, #tpu.memory_space<vmem>>)
      %slice3A_767 = vector.extract_strided_slice %and3A_18 {offsets = [8], sizes = [1], strides = [1]} : vector<16xi32> to vector<1xi32>
      %squeeze3A_768 = vector.extract %slice3A_767[0] : i32 from vector<1xi32>
      %broadcast_in_dim3A_769 = arith.constant 0 : i32
      %broadcast_in_dim3A_770 = vector.broadcast %broadcast_in_dim3A_769 : i32 to vector<16xi32>
      %add3A_771 = vector.broadcast %squeeze3A_768 : i32 to vector<16xi32>
      %add3A_772 = arith.addi %broadcast_in_dim3A_770, %add3A_771 : vector<16xi32>
      %broadcast_in_dim3A_773 = arith.constant 8 : i32
      %broadcast_in_dim3A_774 = vector.broadcast %broadcast_in_dim3A_773 : i32 to vector<16xi32>
      %add3A_775 = arith.constant 0 : i32
      %add3A_776 = vector.broadcast %add3A_775 : i32 to vector<16xi32>
      %add3A_777 = arith.addi %iota3A, %add3A_776 : vector<16xi32>
      %gather3A_778 = tpu.vector_load_idx %arg6[%broadcast_in_dim3A_774, %add3A_777, %add3A_772] : memref<12x64x128xf32, #tpu.memory_space<vmem>>[vector<16xi32>, vector<16xi32>, vector<16xi32>], vector<16xf32>,
      %swap3A_779 = arith.constant 8 : i32
      %swap3A_780 = arith.index_cast %swap3A_779 : i32 to index
      %swap3A_781 = arith.constant 0 : index
      %swap3A_782 = tpu.vector_load %arg7[%swap3A_780, %swap3A_781] {strides = array<i32>} : memref<16x64xf32, #tpu.memory_space<vmem>>, vector<16xf32>,
      tpu.vector_store %arg7[%swap3A_780, %swap3A_781], %gather3A_778 {strides = array<i32>} : memref<16x64xf32, #tpu.memory_space<vmem>>, vector<16xf32>,
      %add3A_783 = arith.constant 16 : i32
      %add3A_784 = vector.broadcast %add3A_783 : i32 to vector<16xi32>
      %add3A_785 = arith.addi %iota3A, %add3A_784 : vector<16xi32>
      %gather3A_786 = tpu.vector_load_idx %arg6[%broadcast_in_dim3A_774, %add3A_785, %add3A_772] : memref<12x64x128xf32, #tpu.memory_space<vmem>>[vector<16xi32>, vector<16xi32>, vector<16xi32>], vector<16xf32>,
      %swap3A_787 = arith.constant 8 : i32
      %swap3A_788 = arith.index_cast %swap3A_787 : i32 to index
      %swap3A_789 = arith.constant 16 : index
      %swap3A_790 = tpu.vector_load %arg7[%swap3A_788, %swap3A_789] {strides = array<i32>} : memref<16x64xf32, #tpu.memory_space<vmem>>, vector<16xf32>,
      tpu.vector_store %arg7[%swap3A_788, %swap3A_789], %gather3A_786 {strides = array<i32>} : memref<16x64xf32, #tpu.memory_space<vmem>>, vector<16xf32>,
      %add3A_791 = arith.constant 32 : i32
      %add3A_792 = vector.broadcast %add3A_791 : i32 to vector<16xi32>
      %add3A_793 = arith.addi %iota3A, %add3A_792 : vector<16xi32>
      %gather3A_794 = tpu.vector_load_idx %arg6[%broadcast_in_dim3A_774, %add3A_793, %add3A_772] : memref<12x64x128xf32, #tpu.memory_space<vmem>>[vector<16xi32>, vector<16xi32>, vector<16xi32>], vector<16xf32>,
      %swap3A_795 = arith.constant 8 : i32
      %swap3A_796 = arith.index_cast %swap3A_795 : i32 to index
      %swap3A_797 = arith.constant 32 : index
      %swap3A_798 = tpu.vector_load %arg7[%swap3A_796, %swap3A_797] {strides = array<i32>} : memref<16x64xf32, #tpu.memory_space<vmem>>, vector<16xf32>,
      tpu.vector_store %arg7[%swap3A_796, %swap3A_797], %gather3A_794 {strides = array<i32>} : memref<16x64xf32, #tpu.memory_space<vmem>>, vector<16xf32>,
      %add3A_799 = arith.constant 48 : i32
      %add3A_800 = vector.broadcast %add3A_799 : i32 to vector<16xi32>
      %add3A_801 = arith.addi %iota3A, %add3A_800 : vector<16xi32>
      %gather3A_802 = tpu.vector_load_idx %arg6[%broadcast_in_dim3A_774, %add3A_801, %add3A_772] : memref<12x64x128xf32, #tpu.memory_space<vmem>>[vector<16xi32>, vector<16xi32>, vector<16xi32>], vector<16xf32>,
      %swap3A_803 = arith.constant 8 : i32
      %swap3A_804 = arith.index_cast %swap3A_803 : i32 to index
      %swap3A_805 = arith.constant 48 : index
      %swap3A_806 = tpu.vector_load %arg7[%swap3A_804, %swap3A_805] {strides = array<i32>} : memref<16x64xf32, #tpu.memory_space<vmem>>, vector<16xf32>,
      tpu.vector_store %arg7[%swap3A_804, %swap3A_805], %gather3A_802 {strides = array<i32>} : memref<16x64xf32, #tpu.memory_space<vmem>>, vector<16xf32>,
      %slice3A_807 = vector.extract_strided_slice %and3A_18 {offsets = [9], sizes = [1], strides = [1]} : vector<16xi32> to vector<1xi32>
      %squeeze3A_808 = vector.extract %slice3A_807[0] : i32 from vector<1xi32>
      %broadcast_in_dim3A_809 = arith.constant 0 : i32
      %broadcast_in_dim3A_810 = vector.broadcast %broadcast_in_dim3A_809 : i32 to vector<16xi32>
      %add3A_811 = vector.broadcast %squeeze3A_808 : i32 to vector<16xi32>
      %add3A_812 = arith.addi %broadcast_in_dim3A_810, %add3A_811 : vector<16xi32>
      %broadcast_in_dim3A_813 = arith.constant 9 : i32
      %broadcast_in_dim3A_814 = vector.broadcast %broadcast_in_dim3A_813 : i32 to vector<16xi32>
      %add3A_815 = arith.constant 0 : i32
      %add3A_816 = vector.broadcast %add3A_815 : i32 to vector<16xi32>
      %add3A_817 = arith.addi %iota3A, %add3A_816 : vector<16xi32>
      %gather3A_818 = tpu.vector_load_idx %arg6[%broadcast_in_dim3A_814, %add3A_817, %add3A_812] : memref<12x64x128xf32, #tpu.memory_space<vmem>>[vector<16xi32>, vector<16xi32>, vector<16xi32>], vector<16xf32>,
      %swap3A_819 = arith.constant 9 : i32
      %swap3A_820 = arith.index_cast %swap3A_819 : i32 to index
      %swap3A_821 = arith.constant 0 : index
      %swap3A_822 = tpu.vector_load %arg7[%swap3A_820, %swap3A_821] {strides = array<i32>} : memref<16x64xf32, #tpu.memory_space<vmem>>, vector<16xf32>,
      tpu.vector_store %arg7[%swap3A_820, %swap3A_821], %gather3A_818 {strides = array<i32>} : memref<16x64xf32, #tpu.memory_space<vmem>>, vector<16xf32>,
      %add3A_823 = arith.constant 16 : i32
      %add3A_824 = vector.broadcast %add3A_823 : i32 to vector<16xi32>
      %add3A_825 = arith.addi %iota3A, %add3A_824 : vector<16xi32>
      %gather3A_826 = tpu.vector_load_idx %arg6[%broadcast_in_dim3A_814, %add3A_825, %add3A_812] : memref<12x64x128xf32, #tpu.memory_space<vmem>>[vector<16xi32>, vector<16xi32>, vector<16xi32>], vector<16xf32>,
      %swap3A_827 = arith.constant 9 : i32
      %swap3A_828 = arith.index_cast %swap3A_827 : i32 to index
      %swap3A_829 = arith.constant 16 : index
      %swap3A_830 = tpu.vector_load %arg7[%swap3A_828, %swap3A_829] {strides = array<i32>} : memref<16x64xf32, #tpu.memory_space<vmem>>, vector<16xf32>,
      tpu.vector_store %arg7[%swap3A_828, %swap3A_829], %gather3A_826 {strides = array<i32>} : memref<16x64xf32, #tpu.memory_space<vmem>>, vector<16xf32>,
      %add3A_831 = arith.constant 32 : i32
      %add3A_832 = vector.broadcast %add3A_831 : i32 to vector<16xi32>
      %add3A_833 = arith.addi %iota3A, %add3A_832 : vector<16xi32>
      %gather3A_834 = tpu.vector_load_idx %arg6[%broadcast_in_dim3A_814, %add3A_833, %add3A_812] : memref<12x64x128xf32, #tpu.memory_space<vmem>>[vector<16xi32>, vector<16xi32>, vector<16xi32>], vector<16xf32>,
      %swap3A_835 = arith.constant 9 : i32
      %swap3A_836 = arith.index_cast %swap3A_835 : i32 to index
      %swap3A_837 = arith.constant 32 : index
      %swap3A_838 = tpu.vector_load %arg7[%swap3A_836, %swap3A_837] {strides = array<i32>} : memref<16x64xf32, #tpu.memory_space<vmem>>, vector<16xf32>,
      tpu.vector_store %arg7[%swap3A_836, %swap3A_837], %gather3A_834 {strides = array<i32>} : memref<16x64xf32, #tpu.memory_space<vmem>>, vector<16xf32>,
      %add3A_839 = arith.constant 48 : i32
      %add3A_840 = vector.broadcast %add3A_839 : i32 to vector<16xi32>
      %add3A_841 = arith.addi %iota3A, %add3A_840 : vector<16xi32>
      %gather3A_842 = tpu.vector_load_idx %arg6[%broadcast_in_dim3A_814, %add3A_841, %add3A_812] : memref<12x64x128xf32, #tpu.memory_space<vmem>>[vector<16xi32>, vector<16xi32>, vector<16xi32>], vector<16xf32>,
      %swap3A_843 = arith.constant 9 : i32
      %swap3A_844 = arith.index_cast %swap3A_843 : i32 to index
      %swap3A_845 = arith.constant 48 : index
      %swap3A_846 = tpu.vector_load %arg7[%swap3A_844, %swap3A_845] {strides = array<i32>} : memref<16x64xf32, #tpu.memory_space<vmem>>, vector<16xf32>,
      tpu.vector_store %arg7[%swap3A_844, %swap3A_845], %gather3A_842 {strides = array<i32>} : memref<16x64xf32, #tpu.memory_space<vmem>>, vector<16xf32>,
      %slice3A_847 = vector.extract_strided_slice %and3A_18 {offsets = [10], sizes = [1], strides = [1]} : vector<16xi32> to vector<1xi32>
      %squeeze3A_848 = vector.extract %slice3A_847[0] : i32 from vector<1xi32>
      %broadcast_in_dim3A_849 = arith.constant 0 : i32
      %broadcast_in_dim3A_850 = vector.broadcast %broadcast_in_dim3A_849 : i32 to vector<16xi32>
      %add3A_851 = vector.broadcast %squeeze3A_848 : i32 to vector<16xi32>
      %add3A_852 = arith.addi %broadcast_in_dim3A_850, %add3A_851 : vector<16xi32>
      %broadcast_in_dim3A_853 = arith.constant 10 : i32
      %broadcast_in_dim3A_854 = vector.broadcast %broadcast_in_dim3A_853 : i32 to vector<16xi32>
      %add3A_855 = arith.constant 0 : i32
      %add3A_856 = vector.broadcast %add3A_855 : i32 to vector<16xi32>
      %add3A_857 = arith.addi %iota3A, %add3A_856 : vector<16xi32>
      %gather3A_858 = tpu.vector_load_idx %arg6[%broadcast_in_dim3A_854, %add3A_857, %add3A_852] : memref<12x64x128xf32, #tpu.memory_space<vmem>>[vector<16xi32>, vector<16xi32>, vector<16xi32>], vector<16xf32>,
      %swap3A_859 = arith.constant 10 : i32
      %swap3A_860 = arith.index_cast %swap3A_859 : i32 to index
      %swap3A_861 = arith.constant 0 : index
      %swap3A_862 = tpu.vector_load %arg7[%swap3A_860, %swap3A_861] {strides = array<i32>} : memref<16x64xf32, #tpu.memory_space<vmem>>, vector<16xf32>,
      tpu.vector_store %arg7[%swap3A_860, %swap3A_861], %gather3A_858 {strides = array<i32>} : memref<16x64xf32, #tpu.memory_space<vmem>>, vector<16xf32>,
      %add3A_863 = arith.constant 16 : i32
      %add3A_864 = vector.broadcast %add3A_863 : i32 to vector<16xi32>
      %add3A_865 = arith.addi %iota3A, %add3A_864 : vector<16xi32>
      %gather3A_866 = tpu.vector_load_idx %arg6[%broadcast_in_dim3A_854, %add3A_865, %add3A_852] : memref<12x64x128xf32, #tpu.memory_space<vmem>>[vector<16xi32>, vector<16xi32>, vector<16xi32>], vector<16xf32>,
      %swap3A_867 = arith.constant 10 : i32
      %swap3A_868 = arith.index_cast %swap3A_867 : i32 to index
      %swap3A_869 = arith.constant 16 : index
      %swap3A_870 = tpu.vector_load %arg7[%swap3A_868, %swap3A_869] {strides = array<i32>} : memref<16x64xf32, #tpu.memory_space<vmem>>, vector<16xf32>,
      tpu.vector_store %arg7[%swap3A_868, %swap3A_869], %gather3A_866 {strides = array<i32>} : memref<16x64xf32, #tpu.memory_space<vmem>>, vector<16xf32>,
      %add3A_871 = arith.constant 32 : i32
      %add3A_872 = vector.broadcast %add3A_871 : i32 to vector<16xi32>
      %add3A_873 = arith.addi %iota3A, %add3A_872 : vector<16xi32>
      %gather3A_874 = tpu.vector_load_idx %arg6[%broadcast_in_dim3A_854, %add3A_873, %add3A_852] : memref<12x64x128xf32, #tpu.memory_space<vmem>>[vector<16xi32>, vector<16xi32>, vector<16xi32>], vector<16xf32>,
      %swap3A_875 = arith.constant 10 : i32
      %swap3A_876 = arith.index_cast %swap3A_875 : i32 to index
      %swap3A_877 = arith.constant 32 : index
      %swap3A_878 = tpu.vector_load %arg7[%swap3A_876, %swap3A_877] {strides = array<i32>} : memref<16x64xf32, #tpu.memory_space<vmem>>, vector<16xf32>,
      tpu.vector_store %arg7[%swap3A_876, %swap3A_877], %gather3A_874 {strides = array<i32>} : memref<16x64xf32, #tpu.memory_space<vmem>>, vector<16xf32>,
      %add3A_879 = arith.constant 48 : i32
      %add3A_880 = vector.broadcast %add3A_879 : i32 to vector<16xi32>
      %add3A_881 = arith.addi %iota3A, %add3A_880 : vector<16xi32>
      %gather3A_882 = tpu.vector_load_idx %arg6[%broadcast_in_dim3A_854, %add3A_881, %add3A_852] : memref<12x64x128xf32, #tpu.memory_space<vmem>>[vector<16xi32>, vector<16xi32>, vector<16xi32>], vector<16xf32>,
      %swap3A_883 = arith.constant 10 : i32
      %swap3A_884 = arith.index_cast %swap3A_883 : i32 to index
      %swap3A_885 = arith.constant 48 : index
      %swap3A_886 = tpu.vector_load %arg7[%swap3A_884, %swap3A_885] {strides = array<i32>} : memref<16x64xf32, #tpu.memory_space<vmem>>, vector<16xf32>,
      tpu.vector_store %arg7[%swap3A_884, %swap3A_885], %gather3A_882 {strides = array<i32>} : memref<16x64xf32, #tpu.memory_space<vmem>>, vector<16xf32>,
      %slice3A_887 = vector.extract_strided_slice %and3A_18 {offsets = [11], sizes = [1], strides = [1]} : vector<16xi32> to vector<1xi32>
      %squeeze3A_888 = vector.extract %slice3A_887[0] : i32 from vector<1xi32>
      %broadcast_in_dim3A_889 = arith.constant 0 : i32
      %broadcast_in_dim3A_890 = vector.broadcast %broadcast_in_dim3A_889 : i32 to vector<16xi32>
      %add3A_891 = vector.broadcast %squeeze3A_888 : i32 to vector<16xi32>
      %add3A_892 = arith.addi %broadcast_in_dim3A_890, %add3A_891 : vector<16xi32>
      %broadcast_in_dim3A_893 = arith.constant 11 : i32
      %broadcast_in_dim3A_894 = vector.broadcast %broadcast_in_dim3A_893 : i32 to vector<16xi32>
      %add3A_895 = arith.constant 0 : i32
      %add3A_896 = vector.broadcast %add3A_895 : i32 to vector<16xi32>
      %add3A_897 = arith.addi %iota3A, %add3A_896 : vector<16xi32>
      %gather3A_898 = tpu.vector_load_idx %arg6[%broadcast_in_dim3A_894, %add3A_897, %add3A_892] : memref<12x64x128xf32, #tpu.memory_space<vmem>>[vector<16xi32>, vector<16xi32>, vector<16xi32>], vector<16xf32>,
      %swap3A_899 = arith.constant 11 : i32
      %swap3A_900 = arith.index_cast %swap3A_899 : i32 to index
      %swap3A_901 = arith.constant 0 : index
      %swap3A_902 = tpu.vector_load %arg7[%swap3A_900, %swap3A_901] {strides = array<i32>} : memref<16x64xf32, #tpu.memory_space<vmem>>, vector<16xf32>,
      tpu.vector_store %arg7[%swap3A_900, %swap3A_901], %gather3A_898 {strides = array<i32>} : memref<16x64xf32, #tpu.memory_space<vmem>>, vector<16xf32>,
      %add3A_903 = arith.constant 16 : i32
      %add3A_904 = vector.broadcast %add3A_903 : i32 to vector<16xi32>
      %add3A_905 = arith.addi %iota3A, %add3A_904 : vector<16xi32>
      %gather3A_906 = tpu.vector_load_idx %arg6[%broadcast_in_dim3A_894, %add3A_905, %add3A_892] : memref<12x64x128xf32, #tpu.memory_space<vmem>>[vector<16xi32>, vector<16xi32>, vector<16xi32>], vector<16xf32>,
      %swap3A_907 = arith.constant 11 : i32
      %swap3A_908 = arith.index_cast %swap3A_907 : i32 to index
      %swap3A_909 = arith.constant 16 : index
      %swap3A_910 = tpu.vector_load %arg7[%swap3A_908, %swap3A_909] {strides = array<i32>} : memref<16x64xf32, #tpu.memory_space<vmem>>, vector<16xf32>,
      tpu.vector_store %arg7[%swap3A_908, %swap3A_909], %gather3A_906 {strides = array<i32>} : memref<16x64xf32, #tpu.memory_space<vmem>>, vector<16xf32>,
      %add3A_911 = arith.constant 32 : i32
      %add3A_912 = vector.broadcast %add3A_911 : i32 to vector<16xi32>
      %add3A_913 = arith.addi %iota3A, %add3A_912 : vector<16xi32>
      %gather3A_914 = tpu.vector_load_idx %arg6[%broadcast_in_dim3A_894, %add3A_913, %add3A_892] : memref<12x64x128xf32, #tpu.memory_space<vmem>>[vector<16xi32>, vector<16xi32>, vector<16xi32>], vector<16xf32>,
      %swap3A_915 = arith.constant 11 : i32
      %swap3A_916 = arith.index_cast %swap3A_915 : i32 to index
      %swap3A_917 = arith.constant 32 : index
      %swap3A_918 = tpu.vector_load %arg7[%swap3A_916, %swap3A_917] {strides = array<i32>} : memref<16x64xf32, #tpu.memory_space<vmem>>, vector<16xf32>,
      tpu.vector_store %arg7[%swap3A_916, %swap3A_917], %gather3A_914 {strides = array<i32>} : memref<16x64xf32, #tpu.memory_space<vmem>>, vector<16xf32>,
      %add3A_919 = arith.constant 48 : i32
      %add3A_920 = vector.broadcast %add3A_919 : i32 to vector<16xi32>
      %add3A_921 = arith.addi %iota3A, %add3A_920 : vector<16xi32>
      %gather3A_922 = tpu.vector_load_idx %arg6[%broadcast_in_dim3A_894, %add3A_921, %add3A_892] : memref<12x64x128xf32, #tpu.memory_space<vmem>>[vector<16xi32>, vector<16xi32>, vector<16xi32>], vector<16xf32>,
      %swap3A_923 = arith.constant 11 : i32
      %swap3A_924 = arith.index_cast %swap3A_923 : i32 to index
      %swap3A_925 = arith.constant 48 : index
      %swap3A_926 = tpu.vector_load %arg7[%swap3A_924, %swap3A_925] {strides = array<i32>} : memref<16x64xf32, #tpu.memory_space<vmem>>, vector<16xf32>,
      tpu.vector_store %arg7[%swap3A_924, %swap3A_925], %gather3A_922 {strides = array<i32>} : memref<16x64xf32, #tpu.memory_space<vmem>>, vector<16xf32>,
      %dma_wait3A_927 = arith.constant 0 : i32
      %dma_wait3A_928 = arith.constant 0 : i32
      %dma_wait3A_929 = arith.constant 0 : i32
      %dma_wait3A_930 = tpu.memref_slice %arg6[%dma_wait3A_927, %dma_wait3A_928, %dma_wait3A_929] : memref<12x64x128xf32, #tpu.memory_space<vmem>> -> memref<1x64x128xf32, #tpu.memory_space<vmem>>
      %dma_wait3A_931 = tpu.memref_squeeze %dma_wait3A_930 : memref<1x64x128xf32, #tpu.memory_space<vmem>> -> memref<64x128xf32, #tpu.memory_space<vmem>>
      %dma_wait3A_932 = arith.constant 0 : i32
      %dma_wait3A_933 = arith.constant 0 : i32
      %dma_wait3A_934 = tpu.memref_slice %arg3[%dma_wait3A_932, %dma_wait3A_933] : memref<64x1000000xf32, #tpu.memory_space<hbm>> -> memref<64x128xf32, #tpu.memory_space<hbm>>
      %dma_wait3A_935 = arith.constant 0 : i32
      %dma_wait3A_936 = arith.constant 0 : i32
      %dma_wait3A_937 = tpu.memref_slice %arg6[%dma_wait3A_927, %dma_wait3A_935, %dma_wait3A_936] : memref<12x64x128xf32, #tpu.memory_space<vmem>> -> memref<1x64x128xf32, #tpu.memory_space<vmem>>
      %dma_wait3A_938 = tpu.memref_squeeze %dma_wait3A_937 : memref<1x64x128xf32, #tpu.memory_space<vmem>> -> memref<64x128xf32, #tpu.memory_space<vmem>>
      %dma_wait3A_939 = arith.constant 0 : i32
      %dma_wait3A_940 = arith.constant 0 : i32
      %dma_wait3A_941 = tpu.memref_slice %arg3[%dma_wait3A_939, %dma_wait3A_940] : memref<64x1000000xf32, #tpu.memory_space<hbm>> -> memref<64x128xf32, #tpu.memory_space<hbm>>
      tpu.wait_dma2 semaphore(%arg8 : memref<!tpu.dma_semaphore, #tpu.memory_space<semaphore_mem>>) src(%dma_wait3A_941 : memref<64x128xf32, #tpu.memory_space<hbm>>) dst(%dma_wait3A_938 : memref<64x128xf32, #tpu.memory_space<vmem>>)
      %dma_wait3A_942 = arith.constant 0 : i32
      %dma_wait3A_943 = arith.constant 0 : i32
      %dma_wait3A_944 = arith.constant 0 : i32
      %dma_wait3A_945 = tpu.memref_slice %arg6[%dma_wait3A_942, %dma_wait3A_943, %dma_wait3A_944] : memref<12x64x128xf32, #tpu.memory_space<vmem>> -> memref<1x64x128xf32, #tpu.memory_space<vmem>>
      %dma_wait3A_946 = tpu.memref_squeeze %dma_wait3A_945 : memref<1x64x128xf32, #tpu.memory_space<vmem>> -> memref<64x128xf32, #tpu.memory_space<vmem>>
      %dma_wait3A_947 = arith.constant 0 : i32
      %dma_wait3A_948 = arith.constant 0 : i32
      %dma_wait3A_949 = tpu.memref_slice %arg3[%dma_wait3A_947, %dma_wait3A_948] : memref<64x1000000xf32, #tpu.memory_space<hbm>> -> memref<64x128xf32, #tpu.memory_space<hbm>>
      %dma_wait3A_950 = arith.constant 0 : i32
      %dma_wait3A_951 = arith.constant 0 : i32
      %dma_wait3A_952 = tpu.memref_slice %arg6[%dma_wait3A_942, %dma_wait3A_950, %dma_wait3A_951] : memref<12x64x128xf32, #tpu.memory_space<vmem>> -> memref<1x64x128xf32, #tpu.memory_space<vmem>>
      %dma_wait3A_953 = tpu.memref_squeeze %dma_wait3A_952 : memref<1x64x128xf32, #tpu.memory_space<vmem>> -> memref<64x128xf32, #tpu.memory_space<vmem>>
      %dma_wait3A_954 = arith.constant 0 : i32
      %dma_wait3A_955 = arith.constant 0 : i32
      %dma_wait3A_956 = tpu.memref_slice %arg3[%dma_wait3A_954, %dma_wait3A_955] : memref<64x1000000xf32, #tpu.memory_space<hbm>> -> memref<64x128xf32, #tpu.memory_space<hbm>>
      tpu.wait_dma2 semaphore(%arg8 : memref<!tpu.dma_semaphore, #tpu.memory_space<semaphore_mem>>) src(%dma_wait3A_956 : memref<64x128xf32, #tpu.memory_space<hbm>>) dst(%dma_wait3A_953 : memref<64x128xf32, #tpu.memory_space<vmem>>)
      %dma_wait3A_957 = arith.constant 0 : i32
      %dma_wait3A_958 = arith.constant 0 : i32
      %dma_wait3A_959 = arith.constant 0 : i32
      %dma_wait3A_960 = tpu.memref_slice %arg6[%dma_wait3A_957, %dma_wait3A_958, %dma_wait3A_959] : memref<12x64x128xf32, #tpu.memory_space<vmem>> -> memref<1x64x128xf32, #tpu.memory_space<vmem>>
      %dma_wait3A_961 = tpu.memref_squeeze %dma_wait3A_960 : memref<1x64x128xf32, #tpu.memory_space<vmem>> -> memref<64x128xf32, #tpu.memory_space<vmem>>
      %dma_wait3A_962 = arith.constant 0 : i32
      %dma_wait3A_963 = arith.constant 0 : i32
      %dma_wait3A_964 = tpu.memref_slice %arg3[%dma_wait3A_962, %dma_wait3A_963] : memref<64x1000000xf32, #tpu.memory_space<hbm>> -> memref<64x128xf32, #tpu.memory_space<hbm>>
      %dma_wait3A_965 = arith.constant 0 : i32
      %dma_wait3A_966 = arith.constant 0 : i32
      %dma_wait3A_967 = tpu.memref_slice %arg6[%dma_wait3A_957, %dma_wait3A_965, %dma_wait3A_966] : memref<12x64x128xf32, #tpu.memory_space<vmem>> -> memref<1x64x128xf32, #tpu.memory_space<vmem>>
      %dma_wait3A_968 = tpu.memref_squeeze %dma_wait3A_967 : memref<1x64x128xf32, #tpu.memory_space<vmem>> -> memref<64x128xf32, #tpu.memory_space<vmem>>
      %dma_wait3A_969 = arith.constant 0 : i32
      %dma_wait3A_970 = arith.constant 0 : i32
      %dma_wait3A_971 = tpu.memref_slice %arg3[%dma_wait3A_969, %dma_wait3A_970] : memref<64x1000000xf32, #tpu.memory_space<hbm>> -> memref<64x128xf32, #tpu.memory_space<hbm>>
      tpu.wait_dma2 semaphore(%arg8 : memref<!tpu.dma_semaphore, #tpu.memory_space<semaphore_mem>>) src(%dma_wait3A_971 : memref<64x128xf32, #tpu.memory_space<hbm>>) dst(%dma_wait3A_968 : memref<64x128xf32, #tpu.memory_space<vmem>>)
      %dma_wait3A_972 = arith.constant 0 : i32
      %dma_wait3A_973 = arith.constant 0 : i32
      %dma_wait3A_974 = arith.constant 0 : i32
      %dma_wait3A_975 = tpu.memref_slice %arg6[%dma_wait3A_972, %dma_wait3A_973, %dma_wait3A_974] : memref<12x64x128xf32, #tpu.memory_space<vmem>> -> memref<1x64x128xf32, #tpu.memory_space<vmem>>
      %dma_wait3A_976 = tpu.memref_squeeze %dma_wait3A_975 : memref<1x64x128xf32, #tpu.memory_space<vmem>> -> memref<64x128xf32, #tpu.memory_space<vmem>>
      %dma_wait3A_977 = arith.constant 0 : i32
      %dma_wait3A_978 = arith.constant 0 : i32
      %dma_wait3A_979 = tpu.memref_slice %arg3[%dma_wait3A_977, %dma_wait3A_978] : memref<64x1000000xf32, #tpu.memory_space<hbm>> -> memref<64x128xf32, #tpu.memory_space<hbm>>
      %dma_wait3A_980 = arith.constant 0 : i32
      %dma_wait3A_981 = arith.constant 0 : i32
      %dma_wait3A_982 = tpu.memref_slice %arg6[%dma_wait3A_972, %dma_wait3A_980, %dma_wait3A_981] : memref<12x64x128xf32, #tpu.memory_space<vmem>> -> memref<1x64x128xf32, #tpu.memory_space<vmem>>
      %dma_wait3A_983 = tpu.memref_squeeze %dma_wait3A_982 : memref<1x64x128xf32, #tpu.memory_space<vmem>> -> memref<64x128xf32, #tpu.memory_space<vmem>>
      %dma_wait3A_984 = arith.constant 0 : i32
      %dma_wait3A_985 = arith.constant 0 : i32
      %dma_wait3A_986 = tpu.memref_slice %arg3[%dma_wait3A_984, %dma_wait3A_985] : memref<64x1000000xf32, #tpu.memory_space<hbm>> -> memref<64x128xf32, #tpu.memory_space<hbm>>
      tpu.wait_dma2 semaphore(%arg8 : memref<!tpu.dma_semaphore, #tpu.memory_space<semaphore_mem>>) src(%dma_wait3A_986 : memref<64x128xf32, #tpu.memory_space<hbm>>) dst(%dma_wait3A_983 : memref<64x128xf32, #tpu.memory_space<vmem>>)
      %slice3A_987 = vector.extract_strided_slice %and3A_18 {offsets = [12], sizes = [1], strides = [1]} : vector<16xi32> to vector<1xi32>
      %squeeze3A_988 = vector.extract %slice3A_987[0] : i32 from vector<1xi32>
      %broadcast_in_dim3A_989 = arith.constant 0 : i32
      %broadcast_in_dim3A_990 = vector.broadcast %broadcast_in_dim3A_989 : i32 to vector<16xi32>
      %add3A_991 = vector.broadcast %squeeze3A_988 : i32 to vector<16xi32>
      %add3A_992 = arith.addi %broadcast_in_dim3A_990, %add3A_991 : vector<16xi32>
      %broadcast_in_dim3A_993 = arith.constant 0 : i32
      %broadcast_in_dim3A_994 = vector.broadcast %broadcast_in_dim3A_993 : i32 to vector<16xi32>
      %add3A_995 = arith.constant 0 : i32
      %add3A_996 = vector.broadcast %add3A_995 : i32 to vector<16xi32>
      %add3A_997 = arith.addi %iota3A, %add3A_996 : vector<16xi32>
      %gather3A_998 = tpu.vector_load_idx %arg6[%broadcast_in_dim3A_994, %add3A_997, %add3A_992] : memref<12x64x128xf32, #tpu.memory_space<vmem>>[vector<16xi32>, vector<16xi32>, vector<16xi32>], vector<16xf32>,
      %swap3A_999 = arith.constant 12 : i32
      %swap3A_1000 = arith.index_cast %swap3A_999 : i32 to index
      %swap3A_1001 = arith.constant 0 : index
      %swap3A_1002 = tpu.vector_load %arg7[%swap3A_1000, %swap3A_1001] {strides = array<i32>} : memref<16x64xf32, #tpu.memory_space<vmem>>, vector<16xf32>,
      tpu.vector_store %arg7[%swap3A_1000, %swap3A_1001], %gather3A_998 {strides = array<i32>} : memref<16x64xf32, #tpu.memory_space<vmem>>, vector<16xf32>,
      %add3A_1003 = arith.constant 16 : i32
      %add3A_1004 = vector.broadcast %add3A_1003 : i32 to vector<16xi32>
      %add3A_1005 = arith.addi %iota3A, %add3A_1004 : vector<16xi32>
      %gather3A_1006 = tpu.vector_load_idx %arg6[%broadcast_in_dim3A_994, %add3A_1005, %add3A_992] : memref<12x64x128xf32, #tpu.memory_space<vmem>>[vector<16xi32>, vector<16xi32>, vector<16xi32>], vector<16xf32>,
      %swap3A_1007 = arith.constant 12 : i32
      %swap3A_1008 = arith.index_cast %swap3A_1007 : i32 to index
      %swap3A_1009 = arith.constant 16 : index
      %swap3A_1010 = tpu.vector_load %arg7[%swap3A_1008, %swap3A_1009] {strides = array<i32>} : memref<16x64xf32, #tpu.memory_space<vmem>>, vector<16xf32>,
      tpu.vector_store %arg7[%swap3A_1008, %swap3A_1009], %gather3A_1006 {strides = array<i32>} : memref<16x64xf32, #tpu.memory_space<vmem>>, vector<16xf32>,
      %add3A_1011 = arith.constant 32 : i32
      %add3A_1012 = vector.broadcast %add3A_1011 : i32 to vector<16xi32>
      %add3A_1013 = arith.addi %iota3A, %add3A_1012 : vector<16xi32>
      %gather3A_1014 = tpu.vector_load_idx %arg6[%broadcast_in_dim3A_994, %add3A_1013, %add3A_992] : memref<12x64x128xf32, #tpu.memory_space<vmem>>[vector<16xi32>, vector<16xi32>, vector<16xi32>], vector<16xf32>,
      %swap3A_1015 = arith.constant 12 : i32
      %swap3A_1016 = arith.index_cast %swap3A_1015 : i32 to index
      %swap3A_1017 = arith.constant 32 : index
      %swap3A_1018 = tpu.vector_load %arg7[%swap3A_1016, %swap3A_1017] {strides = array<i32>} : memref<16x64xf32, #tpu.memory_space<vmem>>, vector<16xf32>,
      tpu.vector_store %arg7[%swap3A_1016, %swap3A_1017], %gather3A_1014 {strides = array<i32>} : memref<16x64xf32, #tpu.memory_space<vmem>>, vector<16xf32>,
      %add3A_1019 = arith.constant 48 : i32
      %add3A_1020 = vector.broadcast %add3A_1019 : i32 to vector<16xi32>
      %add3A_1021 = arith.addi %iota3A, %add3A_1020 : vector<16xi32>
      %gather3A_1022 = tpu.vector_load_idx %arg6[%broadcast_in_dim3A_994, %add3A_1021, %add3A_992] : memref<12x64x128xf32, #tpu.memory_space<vmem>>[vector<16xi32>, vector<16xi32>, vector<16xi32>], vector<16xf32>,
      %swap3A_1023 = arith.constant 12 : i32
      %swap3A_1024 = arith.index_cast %swap3A_1023 : i32 to index
      %swap3A_1025 = arith.constant 48 : index
      %swap3A_1026 = tpu.vector_load %arg7[%swap3A_1024, %swap3A_1025] {strides = array<i32>} : memref<16x64xf32, #tpu.memory_space<vmem>>, vector<16xf32>,
      tpu.vector_store %arg7[%swap3A_1024, %swap3A_1025], %gather3A_1022 {strides = array<i32>} : memref<16x64xf32, #tpu.memory_space<vmem>>, vector<16xf32>,
      %slice3A_1027 = vector.extract_strided_slice %and3A_18 {offsets = [13], sizes = [1], strides = [1]} : vector<16xi32> to vector<1xi32>
      %squeeze3A_1028 = vector.extract %slice3A_1027[0] : i32 from vector<1xi32>
      %broadcast_in_dim3A_1029 = arith.constant 0 : i32
      %broadcast_in_dim3A_1030 = vector.broadcast %broadcast_in_dim3A_1029 : i32 to vector<16xi32>
      %add3A_1031 = vector.broadcast %squeeze3A_1028 : i32 to vector<16xi32>
      %add3A_1032 = arith.addi %broadcast_in_dim3A_1030, %add3A_1031 : vector<16xi32>
      %broadcast_in_dim3A_1033 = arith.constant 1 : i32
      %broadcast_in_dim3A_1034 = vector.broadcast %broadcast_in_dim3A_1033 : i32 to vector<16xi32>
      %add3A_1035 = arith.constant 0 : i32
      %add3A_1036 = vector.broadcast %add3A_1035 : i32 to vector<16xi32>
      %add3A_1037 = arith.addi %iota3A, %add3A_1036 : vector<16xi32>
      %gather3A_1038 = tpu.vector_load_idx %arg6[%broadcast_in_dim3A_1034, %add3A_1037, %add3A_1032] : memref<12x64x128xf32, #tpu.memory_space<vmem>>[vector<16xi32>, vector<16xi32>, vector<16xi32>], vector<16xf32>,
      %swap3A_1039 = arith.constant 13 : i32
      %swap3A_1040 = arith.index_cast %swap3A_1039 : i32 to index
      %swap3A_1041 = arith.constant 0 : index
      %swap3A_1042 = tpu.vector_load %arg7[%swap3A_1040, %swap3A_1041] {strides = array<i32>} : memref<16x64xf32, #tpu.memory_space<vmem>>, vector<16xf32>,
      tpu.vector_store %arg7[%swap3A_1040, %swap3A_1041], %gather3A_1038 {strides = array<i32>} : memref<16x64xf32, #tpu.memory_space<vmem>>, vector<16xf32>,
      %add3A_1043 = arith.constant 16 : i32
      %add3A_1044 = vector.broadcast %add3A_1043 : i32 to vector<16xi32>
      %add3A_1045 = arith.addi %iota3A, %add3A_1044 : vector<16xi32>
      %gather3A_1046 = tpu.vector_load_idx %arg6[%broadcast_in_dim3A_1034, %add3A_1045, %add3A_1032] : memref<12x64x128xf32, #tpu.memory_space<vmem>>[vector<16xi32>, vector<16xi32>, vector<16xi32>], vector<16xf32>,
      %swap3A_1047 = arith.constant 13 : i32
      %swap3A_1048 = arith.index_cast %swap3A_1047 : i32 to index
      %swap3A_1049 = arith.constant 16 : index
      %swap3A_1050 = tpu.vector_load %arg7[%swap3A_1048, %swap3A_1049] {strides = array<i32>} : memref<16x64xf32, #tpu.memory_space<vmem>>, vector<16xf32>,
      tpu.vector_store %arg7[%swap3A_1048, %swap3A_1049], %gather3A_1046 {strides = array<i32>} : memref<16x64xf32, #tpu.memory_space<vmem>>, vector<16xf32>,
      %add3A_1051 = arith.constant 32 : i32
      %add3A_1052 = vector.broadcast %add3A_1051 : i32 to vector<16xi32>
      %add3A_1053 = arith.addi %iota3A, %add3A_1052 : vector<16xi32>
      %gather3A_1054 = tpu.vector_load_idx %arg6[%broadcast_in_dim3A_1034, %add3A_1053, %add3A_1032] : memref<12x64x128xf32, #tpu.memory_space<vmem>>[vector<16xi32>, vector<16xi32>, vector<16xi32>], vector<16xf32>,
      %swap3A_1055 = arith.constant 13 : i32
      %swap3A_1056 = arith.index_cast %swap3A_1055 : i32 to index
      %swap3A_1057 = arith.constant 32 : index
      %swap3A_1058 = tpu.vector_load %arg7[%swap3A_1056, %swap3A_1057] {strides = array<i32>} : memref<16x64xf32, #tpu.memory_space<vmem>>, vector<16xf32>,
      tpu.vector_store %arg7[%swap3A_1056, %swap3A_1057], %gather3A_1054 {strides = array<i32>} : memref<16x64xf32, #tpu.memory_space<vmem>>, vector<16xf32>,
      %add3A_1059 = arith.constant 48 : i32
      %add3A_1060 = vector.broadcast %add3A_1059 : i32 to vector<16xi32>
      %add3A_1061 = arith.addi %iota3A, %add3A_1060 : vector<16xi32>
      %gather3A_1062 = tpu.vector_load_idx %arg6[%broadcast_in_dim3A_1034, %add3A_1061, %add3A_1032] : memref<12x64x128xf32, #tpu.memory_space<vmem>>[vector<16xi32>, vector<16xi32>, vector<16xi32>], vector<16xf32>,
      %swap3A_1063 = arith.constant 13 : i32
      %swap3A_1064 = arith.index_cast %swap3A_1063 : i32 to index
      %swap3A_1065 = arith.constant 48 : index
      %swap3A_1066 = tpu.vector_load %arg7[%swap3A_1064, %swap3A_1065] {strides = array<i32>} : memref<16x64xf32, #tpu.memory_space<vmem>>, vector<16xf32>,
      tpu.vector_store %arg7[%swap3A_1064, %swap3A_1065], %gather3A_1062 {strides = array<i32>} : memref<16x64xf32, #tpu.memory_space<vmem>>, vector<16xf32>,
      %slice3A_1067 = vector.extract_strided_slice %and3A_18 {offsets = [14], sizes = [1], strides = [1]} : vector<16xi32> to vector<1xi32>
      %squeeze3A_1068 = vector.extract %slice3A_1067[0] : i32 from vector<1xi32>
      %broadcast_in_dim3A_1069 = arith.constant 0 : i32
      %broadcast_in_dim3A_1070 = vector.broadcast %broadcast_in_dim3A_1069 : i32 to vector<16xi32>
      %add3A_1071 = vector.broadcast %squeeze3A_1068 : i32 to vector<16xi32>
      %add3A_1072 = arith.addi %broadcast_in_dim3A_1070, %add3A_1071 : vector<16xi32>
      %broadcast_in_dim3A_1073 = arith.constant 2 : i32
      %broadcast_in_dim3A_1074 = vector.broadcast %broadcast_in_dim3A_1073 : i32 to vector<16xi32>
      %add3A_1075 = arith.constant 0 : i32
      %add3A_1076 = vector.broadcast %add3A_1075 : i32 to vector<16xi32>
      %add3A_1077 = arith.addi %iota3A, %add3A_1076 : vector<16xi32>
      %gather3A_1078 = tpu.vector_load_idx %arg6[%broadcast_in_dim3A_1074, %add3A_1077, %add3A_1072] : memref<12x64x128xf32, #tpu.memory_space<vmem>>[vector<16xi32>, vector<16xi32>, vector<16xi32>], vector<16xf32>,
      %swap3A_1079 = arith.constant 14 : i32
      %swap3A_1080 = arith.index_cast %swap3A_1079 : i32 to index
      %swap3A_1081 = arith.constant 0 : index
      %swap3A_1082 = tpu.vector_load %arg7[%swap3A_1080, %swap3A_1081] {strides = array<i32>} : memref<16x64xf32, #tpu.memory_space<vmem>>, vector<16xf32>,
      tpu.vector_store %arg7[%swap3A_1080, %swap3A_1081], %gather3A_1078 {strides = array<i32>} : memref<16x64xf32, #tpu.memory_space<vmem>>, vector<16xf32>,
      %add3A_1083 = arith.constant 16 : i32
      %add3A_1084 = vector.broadcast %add3A_1083 : i32 to vector<16xi32>
      %add3A_1085 = arith.addi %iota3A, %add3A_1084 : vector<16xi32>
      %gather3A_1086 = tpu.vector_load_idx %arg6[%broadcast_in_dim3A_1074, %add3A_1085, %add3A_1072] : memref<12x64x128xf32, #tpu.memory_space<vmem>>[vector<16xi32>, vector<16xi32>, vector<16xi32>], vector<16xf32>,
      %swap3A_1087 = arith.constant 14 : i32
      %swap3A_1088 = arith.index_cast %swap3A_1087 : i32 to index
      %swap3A_1089 = arith.constant 16 : index
      %swap3A_1090 = tpu.vector_load %arg7[%swap3A_1088, %swap3A_1089] {strides = array<i32>} : memref<16x64xf32, #tpu.memory_space<vmem>>, vector<16xf32>,
      tpu.vector_store %arg7[%swap3A_1088, %swap3A_1089], %gather3A_1086 {strides = array<i32>} : memref<16x64xf32, #tpu.memory_space<vmem>>, vector<16xf32>,
      %add3A_1091 = arith.constant 32 : i32
      %add3A_1092 = vector.broadcast %add3A_1091 : i32 to vector<16xi32>
      %add3A_1093 = arith.addi %iota3A, %add3A_1092 : vector<16xi32>
      %gather3A_1094 = tpu.vector_load_idx %arg6[%broadcast_in_dim3A_1074, %add3A_1093, %add3A_1072] : memref<12x64x128xf32, #tpu.memory_space<vmem>>[vector<16xi32>, vector<16xi32>, vector<16xi32>], vector<16xf32>,
      %swap3A_1095 = arith.constant 14 : i32
      %swap3A_1096 = arith.index_cast %swap3A_1095 : i32 to index
      %swap3A_1097 = arith.constant 32 : index
      %swap3A_1098 = tpu.vector_load %arg7[%swap3A_1096, %swap3A_1097] {strides = array<i32>} : memref<16x64xf32, #tpu.memory_space<vmem>>, vector<16xf32>,
      tpu.vector_store %arg7[%swap3A_1096, %swap3A_1097], %gather3A_1094 {strides = array<i32>} : memref<16x64xf32, #tpu.memory_space<vmem>>, vector<16xf32>,
      %add3A_1099 = arith.constant 48 : i32
      %add3A_1100 = vector.broadcast %add3A_1099 : i32 to vector<16xi32>
      %add3A_1101 = arith.addi %iota3A, %add3A_1100 : vector<16xi32>
      %gather3A_1102 = tpu.vector_load_idx %arg6[%broadcast_in_dim3A_1074, %add3A_1101, %add3A_1072] : memref<12x64x128xf32, #tpu.memory_space<vmem>>[vector<16xi32>, vector<16xi32>, vector<16xi32>], vector<16xf32>,
      %swap3A_1103 = arith.constant 14 : i32
      %swap3A_1104 = arith.index_cast %swap3A_1103 : i32 to index
      %swap3A_1105 = arith.constant 48 : index
      %swap3A_1106 = tpu.vector_load %arg7[%swap3A_1104, %swap3A_1105] {strides = array<i32>} : memref<16x64xf32, #tpu.memory_space<vmem>>, vector<16xf32>,
      tpu.vector_store %arg7[%swap3A_1104, %swap3A_1105], %gather3A_1102 {strides = array<i32>} : memref<16x64xf32, #tpu.memory_space<vmem>>, vector<16xf32>,
      %slice3A_1107 = vector.extract_strided_slice %and3A_18 {offsets = [15], sizes = [1], strides = [1]} : vector<16xi32> to vector<1xi32>
      %squeeze3A_1108 = vector.extract %slice3A_1107[0] : i32 from vector<1xi32>
      %broadcast_in_dim3A_1109 = arith.constant 0 : i32
      %broadcast_in_dim3A_1110 = vector.broadcast %broadcast_in_dim3A_1109 : i32 to vector<16xi32>
      %add3A_1111 = vector.broadcast %squeeze3A_1108 : i32 to vector<16xi32>
      %add3A_1112 = arith.addi %broadcast_in_dim3A_1110, %add3A_1111 : vector<16xi32>
      %broadcast_in_dim3A_1113 = arith.constant 3 : i32
      %broadcast_in_dim3A_1114 = vector.broadcast %broadcast_in_dim3A_1113 : i32 to vector<16xi32>
      %add3A_1115 = arith.constant 0 : i32
      %add3A_1116 = vector.broadcast %add3A_1115 : i32 to vector<16xi32>
      %add3A_1117 = arith.addi %iota3A, %add3A_1116 : vector<16xi32>
      %gather3A_1118 = tpu.vector_load_idx %arg6[%broadcast_in_dim3A_1114, %add3A_1117, %add3A_1112] : memref<12x64x128xf32, #tpu.memory_space<vmem>>[vector<16xi32>, vector<16xi32>, vector<16xi32>], vector<16xf32>,
      %swap3A_1119 = arith.constant 15 : i32
      %swap3A_1120 = arith.index_cast %swap3A_1119 : i32 to index
      %swap3A_1121 = arith.constant 0 : index
      %swap3A_1122 = tpu.vector_load %arg7[%swap3A_1120, %swap3A_1121] {strides = array<i32>} : memref<16x64xf32, #tpu.memory_space<vmem>>, vector<16xf32>,
      tpu.vector_store %arg7[%swap3A_1120, %swap3A_1121], %gather3A_1118 {strides = array<i32>} : memref<16x64xf32, #tpu.memory_space<vmem>>, vector<16xf32>,
      %add3A_1123 = arith.constant 16 : i32
      %add3A_1124 = vector.broadcast %add3A_1123 : i32 to vector<16xi32>
      %add3A_1125 = arith.addi %iota3A, %add3A_1124 : vector<16xi32>
      %gather3A_1126 = tpu.vector_load_idx %arg6[%broadcast_in_dim3A_1114, %add3A_1125, %add3A_1112] : memref<12x64x128xf32, #tpu.memory_space<vmem>>[vector<16xi32>, vector<16xi32>, vector<16xi32>], vector<16xf32>,
      %swap3A_1127 = arith.constant 15 : i32
      %swap3A_1128 = arith.index_cast %swap3A_1127 : i32 to index
      %swap3A_1129 = arith.constant 16 : index
      %swap3A_1130 = tpu.vector_load %arg7[%swap3A_1128, %swap3A_1129] {strides = array<i32>} : memref<16x64xf32, #tpu.memory_space<vmem>>, vector<16xf32>,
      tpu.vector_store %arg7[%swap3A_1128, %swap3A_1129], %gather3A_1126 {strides = array<i32>} : memref<16x64xf32, #tpu.memory_space<vmem>>, vector<16xf32>,
      %add3A_1131 = arith.constant 32 : i32
      %add3A_1132 = vector.broadcast %add3A_1131 : i32 to vector<16xi32>
      %add3A_1133 = arith.addi %iota3A, %add3A_1132 : vector<16xi32>
      %gather3A_1134 = tpu.vector_load_idx %arg6[%broadcast_in_dim3A_1114, %add3A_1133, %add3A_1112] : memref<12x64x128xf32, #tpu.memory_space<vmem>>[vector<16xi32>, vector<16xi32>, vector<16xi32>], vector<16xf32>,
      %swap3A_1135 = arith.constant 15 : i32
      %swap3A_1136 = arith.index_cast %swap3A_1135 : i32 to index
      %swap3A_1137 = arith.constant 32 : index
      %swap3A_1138 = tpu.vector_load %arg7[%swap3A_1136, %swap3A_1137] {strides = array<i32>} : memref<16x64xf32, #tpu.memory_space<vmem>>, vector<16xf32>,
      tpu.vector_store %arg7[%swap3A_1136, %swap3A_1137], %gather3A_1134 {strides = array<i32>} : memref<16x64xf32, #tpu.memory_space<vmem>>, vector<16xf32>,
      %add3A_1139 = arith.constant 48 : i32
      %add3A_1140 = vector.broadcast %add3A_1139 : i32 to vector<16xi32>
      %add3A_1141 = arith.addi %iota3A, %add3A_1140 : vector<16xi32>
      %gather3A_1142 = tpu.vector_load_idx %arg6[%broadcast_in_dim3A_1114, %add3A_1141, %add3A_1112] : memref<12x64x128xf32, #tpu.memory_space<vmem>>[vector<16xi32>, vector<16xi32>, vector<16xi32>], vector<16xf32>,
      %swap3A_1143 = arith.constant 15 : i32
      %swap3A_1144 = arith.index_cast %swap3A_1143 : i32 to index
      %swap3A_1145 = arith.constant 48 : index
      %swap3A_1146 = tpu.vector_load %arg7[%swap3A_1144, %swap3A_1145] {strides = array<i32>} : memref<16x64xf32, #tpu.memory_space<vmem>>, vector<16xf32>,
      tpu.vector_store %arg7[%swap3A_1144, %swap3A_1145], %gather3A_1142 {strides = array<i32>} : memref<16x64xf32, #tpu.memory_space<vmem>>, vector<16xf32>,
      %mul3A_1147 = arith.constant 16 : i32
      %mul3A_1148 = arith.muli %scan3A_8, %mul3A_1147 : i32
      %add3A_1149 = arith.addi %mul3A_2, %mul3A_1148 : i32
      "tpu.region"() ({
        %run_scoped3A = tpu.sem_alloc : memref<!tpu.dma_semaphore, #tpu.memory_space<semaphore_mem>>
        %dma_start3A_1150 = arith.constant 0 : i32
        %dma_start3A_1151 = tpu.memref_slice %arg4[%add3A_1149, %dma_start3A_1150] : memref<16384x64xf32, #tpu.memory_space<hbm>> -> memref<16x64xf32, #tpu.memory_space<hbm>>
        %dma_start3A_1152 = arith.constant 0 : i32
        %dma_start3A_1153 = tpu.memref_slice %arg4[%add3A_1149, %dma_start3A_1152] : memref<16384x64xf32, #tpu.memory_space<hbm>> -> memref<16x64xf32, #tpu.memory_space<hbm>>
        tpu.enqueue_dma source(%arg7 : memref<16x64xf32, #tpu.memory_space<vmem>>) target(%dma_start3A_1153 : memref<16x64xf32, #tpu.memory_space<hbm>>) target_semaphore(%run_scoped3A : memref<!tpu.dma_semaphore, #tpu.memory_space<semaphore_mem>>)
        %dma_wait3A_1154 = arith.constant 0 : i32
        %dma_wait3A_1155 = tpu.memref_slice %arg4[%add3A_1149, %dma_wait3A_1154] : memref<16384x64xf32, #tpu.memory_space<hbm>> -> memref<16x64xf32, #tpu.memory_space<hbm>>
        %dma_wait3A_1156 = arith.constant 0 : i32
        %dma_wait3A_1157 = tpu.memref_slice %arg4[%add3A_1149, %dma_wait3A_1156] : memref<16384x64xf32, #tpu.memory_space<hbm>> -> memref<16x64xf32, #tpu.memory_space<hbm>>
        tpu.wait_dma2 semaphore(%run_scoped3A : memref<!tpu.dma_semaphore, #tpu.memory_space<semaphore_mem>>) src(%arg7 : memref<16x64xf32, #tpu.memory_space<vmem>>) dst(%dma_wait3A_1157 : memref<16x64xf32, #tpu.memory_space<hbm>>)
        tpu.yield
      }) : () -> ()
    }
    %scan3A_7 = arith.constant 32 : i32
    return
  }
}

</mosaic_0001>

<sc_bundles>
// kernel: kernel.3.cloned.1.call-start
scs
__scs_entry_jumppad:
0x0: {  	(pc) =	sbr.rel $0x88, $3  }
0x1: {  	(tag) =	ssettag $0x0;
	lr =	simm.s32 $0x1  }
0x2: {  	[smem:$0x3F9F] =	sst lr;
	_ =	strace $0xD0000000  }
0x3: {  	_ = 	snop  }
0x4: {  	_ = 	snop  }
0x5: {  	_ = 	snop  }
0x6: {  	_ = 	snop  }
0x7: {  	_ = 	snop  }
__scs_overlays_trampoline_lowered:
0x8: {  	[smem:$0x3FAE] =	sst s0  }
0x9: {  	[smem:$0x3FAF] =	sst s1  }
0xa: {  	[smem:$0x3FB0] =	sst s2  }
0xb: {  	[smem:$0x3FB1] =	sst s3  }
0xc: {  	[smem:$0x3FB2] =	sst s4  }
0xd: {  	[smem:$0x3FB3] =	sst s5  }
0xe: {  	[smem:$0x3FB4] =	sst s6  }
0xf: {  	[smem:$0x3FB5] =	sst s7  }
0x10: {  	[smem:$0x3FB6] =	sst s8  }
0x11: {  	[smem:$0x3FB7] =	sst s9;
	s0 =	simm.s32 @!p0 $0x0  }
0x12: {  	s1 =	sld [smem:$0x3F9D];
	s0 =	simm.s32 @p0 $0x1  }
0x13: {  	[smem:$0x3FB8] =	sst s0;
	s0 =	simm.s32 @!p1 $0x0  }
0x14: {  	s2 =	sld [smem:$0x3F9C];
	s0 =	simm.s32 @p1 $0x1  }
0x15: {  	[smem:$0x3FB9] =	sst s0;
	s0 =	simm.s32 @!p2 $0x0  }
0x16: {  	s3 =	sld [smem:$0x3FDB];
	s0 =	simm.s32 @p2 $0x1  }
0x17: {  	s4 =	simm.s32 $0x1BF5;
	[smem:$0x3FBB] =	sst s0  }
0x18: {  	s0 =	sld [smem:$0x3F9E];
	_ =	swait.ge [sflag:s4], $0x0  }
0x19: {  	s7 =	sld [smem:$0x3F9F]  }
0x1a: {  	s8 =	sadd.s32 $0xFFFFE003, lr  }
0x1b: {  	s9 =	sadd.s32 $0xFFFFFEF7, lr;
	s5 =	simm.s32 $0xFFFFFFFF;
	p2 =	slt.u32 s8, $0xFFFFF086  }
0x1c: {  	p1 =	slt.u32 s9, $0xF7A;
	s5 =	simm.s32 @!p2 $0x0  }
0x1d: {  	s5 =	simm.s32 @p1 $0x1;
	p0 =	seq.s32 s7, s2  }
0x1e: {  	s7 =	smul.u32 @!p0 $0xF7A, s2;
	p2 =	seq.s32 @!p0 s5, $0x0  }
0x1f: {  	s9 =	smul.u32 $0xF7A, s1;
	s8 =	simm.s32 @!p0 $0x1BF5;
	p2 =	por !p2, p0  }
0x20: {  	[sflag:s8] =	ssyncset.s32 @!p0 $0xFFFFF086;
	s6 =	sadd.s32 @!p0 s3, s7;
	s7 =	simm.s32 @!p0 $0x108  }
0x21: {  	s3 =	sadd.s32 s3, s9;
	s6 =	sadd.s32 @!p0 $0x88, s6;
	s7 =	simm.s32 @p2 $0x1082  }
0x22: {  	[simem:s7], [sflag:s8] =	dma.local @!p0 [hbm:s6], $0xF7A  }
0x23: {  	s9 =	sor.u32 $0xD0000000, s2;
	s6 =	simm.s32 $0x108;
	_ =	swait.ge @!p0 [sflag:s8], $0x0  }
0x24: {  	s3 =	sadd.s32 $0x88, s3;
	s6 =	simm.s32 @!p1 $0x1082;
	[sflag:s4] =	ssyncset.s32 $0xFFFFF086  }
0x25: {  	[simem:s6], [sflag:s4] =	dma.local [hbm:s3], $0xF7A  }
0x26: {  	[smem:$0x3F9F] =	sst s1;
	(tag) =	ssettag s2;
	_ =	strace s9  }
0x27: {  	s1 =	sld [smem:$0x3FAF]  }
0x28: {  	s2 =	sld [smem:$0x3FB0]  }
0x29: {  	s4 =	sld [smem:$0x3FB2]  }
0x2a: {  	p0 =	seq.s32 s5, $0x0;
	s5 =	sld [smem:$0x3FB3]  }
0x2b: {  	s6 =	sld [smem:$0x3FB4]  }
0x2c: {  	s7 =	sld [smem:$0x3FB5]  }
0x2d: {  	s3 =	simm.s32 $0x108;
	s8 =	sld [smem:$0x3FB6]  }
0x2e: {  	s3 =	simm.s32 @!p0 $0x1082;
	s9 =	sld [smem:$0x3FB7]  }
0x2f: {  	lr =	sadd.s32 s0, s3;
	s0 =	sld [smem:$0x3FAE]  }
0x30: {  	s3 =	sld [smem:$0x3FB1]  }
0x31: {  	[smem:$0x3FBA] =	sst s10  }
0x32: {  	s10 =	sld [smem:$0x3FB8];
	_ =	sdelay $0x3  }
0x33: {  	p0 =	seq.s32 s10, $0x1;
	s10 =	sld [smem:$0x3FBA];
	_ =	sdelay $0x3  }
0x34: {  	[smem:$0x3FBA] =	sst s10  }
0x35: {  	s10 =	sld [smem:$0x3FB9];
	_ =	sdelay $0x3  }
0x36: {  	p1 =	seq.s32 s10, $0x1;
	s10 =	sld [smem:$0x3FBA];
	_ =	sdelay $0x3  }
0x37: {  	[smem:$0x3FBA] =	sst s10  }
0x38: {  	s10 =	sld [smem:$0x3FBB]  }
0x39: {  	_ = 	snop;
	(pc) =	sbr.ind lr, $3  }
0x3a: {  	_ = 	snop  }
0x3b: {  	_ = 	snop  }
0x3c: {  	p2 =	seq.s32 s10, $0x1;
	s10 =	sld [smem:$0x3FBA]  }
0x3d: {  	_ =	shalt  }
0x3e: {  	_ =	shalt  }
0x3f: {  	_ =	shalt  }
0x40: {  	_ =	shalt  }
0x41: {  	_ =	shalt  }
0x42: {  	_ =	shalt  }
0x43: {  	_ =	shalt  }
0x44: {  	_ =	shalt  }
0x45: {  	_ =	shalt  }
0x46: {  	_ =	shalt  }
0x47: {  	_ =	shalt  }
0x48: {  	_ =	shalt  }
0x49: {  	_ =	shalt  }
0x4a: {  	_ =	shalt  }
0x4b: {  	_ =	shalt  }
0x4c: {  	_ =	shalt  }
0x4d: {  	_ =	shalt  }
0x4e: {  	_ =	shalt  }
0x4f: {  	_ =	shalt  }
0x50: {  	_ =	shalt  }
0x51: {  	_ =	shalt  }
0x52: {  	_ =	shalt  }
0x53: {  	_ =	shalt  }
0x54: {  	_ =	shalt  }
0x55: {  	_ =	shalt  }
0x56: {  	_ =	shalt  }
0x57: {  	_ =	shalt  }
0x58: {  	_ =	shalt  }
0x59: {  	_ =	shalt  }
0x5a: {  	_ =	shalt  }
0x5b: {  	_ =	shalt  }
0x5c: {  	_ =	shalt  }
0x5d: {  	_ =	shalt  }
0x5e: {  	_ =	shalt  }
0x5f: {  	_ =	shalt  }
0x60: {  	_ =	shalt  }
0x61: {  	_ =	shalt  }
0x62: {  	_ =	shalt  }
0x63: {  	_ =	shalt  }
0x64: {  	_ =	shalt  }
0x65: {  	_ =	shalt  }
0x66: {  	_ =	shalt  }
0x67: {  	_ =	shalt  }
0x68: {  	_ =	shalt  }
0x69: {  	_ =	shalt  }
0x6a: {  	_ =	shalt  }
0x6b: {  	_ =	shalt  }
0x6c: {  	_ =	shalt  }
0x6d: {  	_ =	shalt  }
0x6e: {  	_ =	shalt  }
0x6f: {  	_ =	shalt  }
0x70: {  	_ =	shalt  }
0x71: {  	_ =	shalt  }
0x72: {  	_ =	shalt  }
0x73: {  	_ =	shalt  }
0x74: {  	_ =	shalt  }
0x75: {  	_ =	shalt  }
0x76: {  	_ =	shalt  }
0x77: {  	_ =	shalt  }
0x78: {  	_ =	shalt  }
0x79: {  	_ =	shalt  }
0x7a: {  	_ =	shalt  }
0x7b: {  	_ =	shalt  }
0x7c: {  	_ =	shalt  }
0x7d: {  	_ =	shalt  }
0x7e: {  	_ =	shalt  }
0x7f: {  	_ =	shalt  }
0x80: {  	_ =	shalt  }
0x81: {  	_ =	shalt  }
0x82: {  	_ =	shalt  }
0x83: {  	_ =	shalt  }
0x84: {  	_ =	shalt  }
0x85: {  	_ =	shalt  }
0x86: {  	_ =	shalt  }
0x87: {  	_ =	shalt  }
.Lfunc_end0:
.L_simem_size_0:
called_computation_lowered:
.L_overlay_start_0:
0x88: {  	s2 =	sld [smem:$0x3FD9]  }
0x89: {  	s3 =	sld [smem:$0x3FFE];
	_ =	sdelay $0x1  }
0x8a: {  	s1 =	srdreg.scid  }
0x8b: {  	s0 =	sand.u32 $0x1, s1  }
0x8c: {  	s17 =	sshll.u32 s0, $0xA;
	s2 =	sadd.s32 s3, s2  }
0x8d: {  	s2 =	sadd.s32 s2, s17  }
0x8e: {  	[smem:$0x3FC6] =	sst s2  }
0x8f: {  	_ = 	snop  }
0x90: {  	s2 =	sld [smem:$0x3FC9]  }
0x91: {  	s18 =	sld [smem:$0x3FC8];
	(tm) =	ssettm $0x1  }
0x92: {  	s4 =	sld [smem:$0x3FFB];
	_ =	sdelay $0x3  }
0x93: {  	_ =	strace s4  }
0x94: {  	s4 =	sld [smem:$0x3FFC];
	_ =	sdelay $0x3  }
0x95: {  	_ =	strace s4  }
0x96: {  	s4 =	sld [smem:$0x3FFD];
	_ =	sdelay $0x3  }
0x97: {  	_ =	strace s4  }
0x98: {  	_ =	strace $0x8FFFFFFF  }
0x99: {  	s19 =	sld [smem:$0x3FDB];
	_ =	sdelay $0x1  }
0x9a: {  	s5 =	simm.s32 $_scs_section_size  }
0x9b: {  	s6 =	simm.s32 $_size__tile_overlayer_lowered;
	s7 =	simm.s32 $_tile_overlayer_lowered  }
0x9c: {  	s22 =	simm.s32 $0x1BFF;
	s21 =	sshll.u32 s7, $0x1;
	s4 =	sadd.s32 s5, s19  }
0x9d: {  	s8 =	simm.s32 $0x0;
	s20 =	sshll.u32 s6, $0x1;
	s6 =	sadd.s32 s21, s4  }
0x9e: {  	[timem:s8], [sflag:s22] =	dma.local [hbm:s6], s20  }
0x9f: {  	_ =	swait.ge [sflag:s22], s20  }
0xa0: {  	s5 =	ssub.s32 $0x0, s20;
	[sflag:s22] =	ssyncset.done $0x0  }
0xa1: {  	[sflag:s22] =	ssyncadd.s32 s5;
	_ =	sdelay $0x1  }
0xa2: {  	s23 =	simm.s32 $0x1B8B  }
0xa3: {  	_ =	swait.ge [sflag:s23], $0x1  }
0xa4: {  	[sflag:s23] =	ssyncset.done $0x0  }
0xa5: {  	s25 =	simm.s32 $0x1B8E;
	s24 =	sld [smem:$0x3FFE];
	[sflag:s23] =	ssyncadd.s32 $0xFFFFFFFF  }
0xa6: {  	s26 =	simm.s32 $execute0_lowered;
	[smem:$0x3FD2] =	sst s25  }
0xa7: {  	s6 =	sshll.u32 s26, $0x1;
	_ =	strace $0x80000046;
	[dreg:$0x1] =	wrdreg $0xFFFFFFFF  }
0xa8: {  	s28 =	simm.s32 $_size_execute0_lowered;
	s4 =	sadd.s32 s4, s6;
	[dreg:$0x0] =	wrdreg $0x0  }
0xa9: {  	s6 =	sshll.u32 s28, $0x1;
	[dreg:$0x2] =	wrdreg s4  }
0xaa: {  	[dreg:$0x3] =	wrdreg s6  }
0xab: {  	[dreg:$0x4] =	wrdreg $0xC0  }
0xac: {  	_ =	task [dreg:s8], $0x5FFFF  }
0xad: {  	[dreg:$0x1] =	wrdreg $0xFFFFFFFF  }
0xae: {  	[dreg:$0x0] =	wrdreg $0x60  }
0xaf: {  	[dreg:$0x2] =	wrdreg s2  }
0xb0: {  	[dreg:$0x3] =	wrdreg s18  }
0xb1: {  	[dreg:$0x4] =	wrdreg s24  }
0xb2: {  	[dreg:$0x5] =	wrdreg $0x9  }
0xb3: {  	_ =	task.clear_ibuf [dreg:s8], $0x6FFFF;
	_ =	strace $0x90000046  }
0xb4: {  	s29 =	simm.s32 $0x9;
	_ =	strace $0x80000048  }
0xb5: {  	_ =	swait.ge [sflag:s29], $0x1  }
0xb6: {  	[sflag:s29] =	ssyncadd.s32 $0xFFFFFFFF  }
0xb7: {  	_ =	strace $0x90000048  }
0xb8: {  	_ =	sfence  }
0xb9: {  	s30 =	sld [smem:$0x0];
	_ =	sdelay $0x2  }
0xba: {  	s31 =	sshll.u32 s1, $0xD;
	s1 =	sshrl.u32 s1, $0x2  }
0xbb: {  	s3 =	sand.u32 $0x4000, s31;
	s1 =	sadd.s32 s1, s30  }
0xbc: {  	s0 =	sor.u32 s3, s0;
	s1 =	sshll.u32 s1, $0x11  }
0xbd: {  	s0 =	sor.u32 s1, s0  }
0xbe: {  	s0 =	sadd.s32 $0x8F2B, s0  }
0xbf: {  	[sflag:s0] =	ssyncadd.remote.s32 $0x1  }
0xc0: {  	_ =	sfence.sel $0xFFFF  }
0xc1: {  	[dreg:$0x0] =	wrdreg $0xFFFFFFFF;
	(pc) =	sbr.abs _section_cstart, $3  }
0xc2: {  	[dreg:$0x1] =	wrdreg $0xFFFFFFFF  }
0xc3: {  	_ =	task.clear_ibuf [dreg:s8], $0x2FFFF;
	_ =	strace $0x9FFFFFFF  }
0xc4: {  	(tm) =	ssettm $0x7FFFFFFF  }
0xc5: {  	_ =	shalt  }
tec
execute0_lowered:
.L_overlay_start_1:
0x0: {  	(tag) =	ssettag $0x1  }
0x1: {  	v0 =	vlaneseq.u32  }
0x2: {  	s3 =	rddreg [dreg:$0x0];
	v0 =	vmul.u32 $0x80, v0  }
0x3: {  	s0 =	rddreg [dreg:$0x1]  }
0x4: {  	s4 =	rddreg [dreg:$0x2];
	v1 =	vor.u32 $0x800, v0;
	v2 =	vor.u32 $0x1000, v0  }
0x5: {  	s1 =	simm.s32 $0x0;
	s2 =	stileid.u32;
	s5 =	srdreg.scid;
	v3 =	vor.u32 $0x1800, v0;
	v4 =	vor.u32 $0x2000, v0;
	v5 =	vor.u32 $0x2800, v0  }
0x6: {  	s30 =	simm.s32 $0x8200;
	s31 =	simm.s32 $0xA200;
	s10 =	simm.s32 $0xC200;
	v6 =	vor.u32 $0x3000, v0;
	v7 =	vor.u32 $0x3800, v0;
	v8 =	vor.u32 $0x4000, v0  }
0x7: {  	s11 =	simm.s32 $0xE200;
	s13 =	simm.s32 $0x10200;
	s12 =	simm.s32 $0x6200;
	v9 =	vor.u32 $0x4800, v0;
	v10 =	vor.u32 $0x5000, v0;
	v11 =	vor.u32 $0x5800, v0  }
0x8: {  	s14 =	simm.s32 $0x14200;
	s15 =	simm.s32 $0x16200;
	[dreg:$0x4] =	wrdreg s0;
	v12 =	vor.u32 $0x6000, v0;
	v13 =	vor.u32 $0x6800, v0;
	v14 =	vor.u32 $0x7000, v0  }
0x9: {  	s16 =	simm.s32 $0x1;
	s17 =	simm.s32 $0x18200;
	s0 =	rddreg [dreg:$0x3];
	v15 =	vor.u32 $0x7800, v0;
	v16 =	vor.u32 $0x8000, v0;
	v17 =	vor.u32 $0x8800, v0  }
0xa: {  	s18 =	simm.s32 $0x0;
	[smem:$0x7FF] =	sst s1;
	s6 =	sshll.u32 s2, $0xE;
	v18 =	vor.u32 $0x9000, v0;
	v19 =	vor.u32 $0x9800, v0;
	v20 =	vor.u32 $0xA000, v0  }
0xb: {  	s5 =	sand.u32 $0x1, s5;
	_ =	strace $0x80000047;
	[dreg:$0x5] =	wrdreg s30;
	v21 =	vor.u32 $0xA800, v0;
	v22 =	vor.u32 $0xB000, v0;
	v23 =	vor.u32 $0xB800, v0  }
0xc: {  	s8 =	sshll.u32 s2, $0xA;
	s7 =	ssub.s32 $0x2, s5;
	[dreg:$0x6] =	wrdreg s31;
	v24 =	vor.u32 $0xC000, v0;
	v25 =	vor.u32 $0xC800, v0;
	v26 =	vor.u32 $0xD000, v0  }
0xd: {  	s9 =	sshll.u32 s5, $0x9;
	s6 =	sadd.s32 s6, s4;
	[dreg:$0x7] =	wrdreg s10;
	v27 =	vor.u32 $0xD800, v0;
	v28 =	vor.u32 $0xE000, v0;
	v29 =	vor.u32 $0xE800, v0  }
0xe: {  	s5 =	sshll.u32 s5, $0xD;
	s10 =	simm.s32 $0x2200;
	[dreg:$0x8] =	wrdreg s11;
	v30 =	vor.u32 $0xF000, v0;
	v31 =	vor.u32 $0xF800, v0;
	v32 =	vor.u32 $0x10000, v0  }
0xf: {  	s11 =	simm.s32 $0x4200;
	[dreg:$0x9] =	wrdreg s13;
	s13 =	simm.s32 $0x12200;
	v33 =	vor.u32 $0x10800, v0;
	v34 =	vor.u32 $0x11000, v0;
	v35 =	vor.u32 $0x11800, v0  }
0x10: {  	s28 =	sshrl.u32 s7, $0x1;
	s8 =	sor.u32 s9, s8;
	s5 =	sadd.s32 s5, s6;
	v36 =	vor.u32 $0x12000, v0;
	v37 =	vor.u32 $0x12800, v0;
	v38 =	vor.u32 $0x13000, v0  }
0x11: {  	s6 =	simm.s32 $0x2;
	s9 =	simm.s32 $0x200;
	v39 =	vor.u32 $0x13800, v0;
	v40 =	vor.u32 $0x14000, v0;
	v41 =	vor.u32 $0x14800, v0;
	s4 =	ssub.s32 s7, s28  }
0x12: {  	v42 =	vor.u32 $0x15000, v0;
	v43 =	vor.u32 $0x15800, v0;
	v44 =	vor.u32 $0x16000, v0;
	s29 =	sshrl.u32 s8, $0x3;
	s5 =	sadd.s32 $0x400, s5;
	s7 =	simm.s32 $0x400  }
0x13: {  	v45 =	vor.u32 $0x16800, v0;
	v46 =	vor.u32 $0x17000, v0;
	v47 =	vor.u32 $0x17800, v0;
	s8 =	simm.s32 $0x7A1400;
	s3 =	sadd.s32 s3, s29;
	s4 =	smax.u32 s4, $0x1  }
.LBB2_1:
0x14: {  	[tilespmem:s1], [sflag:$0x2] =	stream.linear.gather [hbm4b:s3+s1], $0x200, $0x38;
	[tilespmem:$0x18A00] =	vst v63  }
0x15: {  	_ =	swait.ge [sflag:s6], $0x200  }
0x16: {  	[sflag:s6] =	ssyncset.done $0x0  }
0x17: {  	s19 =	smov.u32 s5;
	s20 =	simm.s32 $0x0;
	[sflag:s6] =	ssyncadd.s32 $0xFFFFFE00  }
.LBB2_2:
0x18: {  	s21 =	sshra.s32 s20, $0x2  }
0x19: {  	v48 =	vld [tilespmem:s21+$0x0];
	_ =	sdelay $0x4  }
0x1a: {  	s29 =	rddreg [dreg:$0x4];
	v49 =	vand.u32 $0xFFFFFF80, v48  }
0x1b: {  	v49 =	vadd.s32 s29, v49  }
0x1c: {  	(v2sf) =	vpush v49, $0x0;
	_ =	sdelay $0x1  }
0x1d: {  	(v2sf) =	vpush v49, $0x1;
	_ =	sdelay $0x1  }
0x1e: {  	(v2sf) =	vpush v49, $0x2;
	_ =	sdelay $0x1  }
0x1f: {  	(v2sf) =	vpush v49, $0x3;
	_ =	sdelay $0x1  }
0x20: {  	(v2sf) =	vpush v49, $0x4;
	_ =	sdelay $0x1  }
0x21: {  	(v2sf) =	vpush v49, $0x5;
	_ =	sdelay $0x1  }
0x22: {  	(v2sf) =	vpush v49, $0x6;
	_ =	sdelay $0x1  }
0x23: {  	(v2sf) =	vpush v49, $0x7  }
0x24: {  	s30 =	spop (v2sf)  }
0x25: {  	(v2sf) =	vpush v49, $0x8;
	[tilespmem:s9], [sflag:$0x1] =	stream.strided.gather [hbm4b:s30+s7], $0x2000, s8, s7, $0x38;
	[tilespmem:$0x18A00] =	vst v63  }
0x26: {  	s31 =	spop (v2sf)  }
0x27: {  	(v2sf) =	vpush v49, $0x9;
	[tilespmem:s10], [sflag:$0x1] =	stream.strided.gather [hbm4b:s31+s7], $0x2000, s8, s7, $0x38;
	[tilespmem:$0x18A00] =	vst v63  }
0x28: {  	s22 =	spop (v2sf)  }
0x29: {  	(v2sf) =	vpush v49, $0xA;
	[tilespmem:s11], [sflag:$0x1] =	stream.strided.gather [hbm4b:s22+s7], $0x2000, s8, s7, $0x38;
	[tilespmem:$0x18A00] =	vst v63  }
0x2a: {  	s23 =	spop (v2sf)  }
0x2b: {  	(v2sf) =	vpush v49, $0xB;
	[tilespmem:s12], [sflag:$0x1] =	stream.strided.gather [hbm4b:s23+s7], $0x2000, s8, s7, $0x38;
	[tilespmem:$0x18A00] =	vst v63  }
0x2c: {  	s24 =	spop (v2sf);
	s22 =	rddreg [dreg:$0x5]  }
0x2d: {  	[tilespmem:s22], [sflag:$0x1] =	stream.strided.gather [hbm4b:s24+s7], $0x2000, s8, s7, $0x38;
	[tilespmem:$0x18A00] =	vst v63  }
0x2e: {  	s25 =	spop (v2sf);
	s23 =	rddreg [dreg:$0x6]  }
0x2f: {  	[tilespmem:s23], [sflag:$0x1] =	stream.strided.gather [hbm4b:s25+s7], $0x2000, s8, s7, $0x38;
	[tilespmem:$0x18A00] =	vst v63  }
0x30: {  	s26 =	rddreg [dreg:$0x7];
	s28 =	spop (v2sf)  }
0x31: {  	[tilespmem:s26], [sflag:$0x1] =	stream.strided.gather [hbm4b:s28+s7], $0x2000, s8, s7, $0x38;
	[tilespmem:$0x18A00] =	vst v63  }
0x32: {  	s29 =	rddreg [dreg:$0x8];
	s30 =	spop (v2sf)  }
0x33: {  	[tilespmem:s29], [sflag:$0x1] =	stream.strided.gather [hbm4b:s30+s7], $0x2000, s8, s7, $0x38;
	[tilespmem:$0x18A00] =	vst v63  }
0x34: {  	s31 =	rddreg [dreg:$0x9];
	s23 =	spop (v2sf)  }
0x35: {  	[tilespmem:s31], [sflag:$0x1] =	stream.strided.gather [hbm4b:s23+s7], $0x2000, s8, s7, $0x38;
	[tilespmem:$0x18A00] =	vst v63  }
0x36: {  	s24 =	spop (v2sf)  }
0x37: {  	[tilespmem:s13], [sflag:$0x1] =	stream.strided.gather [hbm4b:s24+s7], $0x2000, s8, s7, $0x38;
	[tilespmem:$0x18A00] =	vst v63  }
0x38: {  	s25 =	spop (v2sf)  }
0x39: {  	[tilespmem:s14], [sflag:$0x1] =	stream.strided.gather [hbm4b:s25+s7], $0x2000, s8, s7, $0x38;
	[tilespmem:$0x18A00] =	vst v63  }
0x3a: {  	s26 =	spop (v2sf)  }
0x3b: {  	[tilespmem:s15], [sflag:$0x1] =	stream.strided.gather [hbm4b:s26+s7], $0x2000, s8, s7, $0x38;
	[tilespmem:$0x18A00] =	vst v63  }
0x3c: {  	_ =	swait.ge [sflag:s16], $0x2000  }
0x3d: {  	[sflag:s16] =	ssyncset.done $0x0  }
0x3e: {  	[sflag:s16] =	ssyncadd.s32 $0xFFFFE000  }
0x3f: {  	_ =	swait.ge [sflag:s16], $0x2000  }
0x40: {  	v48 =	vand.u32 $0x7F, v48;
	[sflag:s16] =	ssyncset.done $0x0  }
0x41: {  	v50 =	vbroadcast v48, $0x0;
	[sflag:s16] =	ssyncadd.s32 $0xFFFFE000  }
0x42: {  	_ =	swait.ge [sflag:s16], $0x2000  }
0x43: {  	v51 =	vor.u32 v0, v50;
	[sflag:s16] =	ssyncset.done $0x0  }
0x44: {  	[sflag:s16] =	ssyncadd.s32 $0xFFFFE000  }
0x45: {  	_ =	swait.ge [sflag:s16], $0x2000  }
0x46: {  	[sflag:s16] =	ssyncset.done $0x0  }
0x47: {  	[sflag:s16] =	ssyncadd.s32 $0xFFFFE000  }
0x48: {  	v51 =	vld.idx.msk [tilespmem:v51+s9+$0x0], $0xffff  }
0x49: {  	v52 =	vor.u32 v1, v50;
	_ =	sdelay $0x3  }
0x4a: {  	[tilespmem:$0x18200] =	vst v51  }
0x4b: {  	v51 =	vld.idx.msk [tilespmem:v52+s9+$0x0], $0xffff  }
0x4c: {  	v59 =	vor.u32 v2, v50;
	_ =	sdelay $0x3  }
0x4d: {  	[tilespmem:$0x18210] =	vst v51  }
0x4e: {  	v51 =	vld.idx.msk [tilespmem:v59+s9+$0x0], $0xffff  }
0x4f: {  	v50 =	vor.u32 v3, v50;
	_ =	sdelay $0x3  }
0x50: {  	v60 =	vbroadcast v48, $0x1;
	[tilespmem:$0x18220] =	vst v51  }
0x51: {  	v50 =	vld.idx.msk [tilespmem:v50+s9+$0x0], $0xffff  }
0x52: {  	v61 =	vor.u32 v4, v60;
	_ =	sdelay $0x3  }
0x53: {  	[tilespmem:$0x18230] =	vst v50  }
0x54: {  	v50 =	vld.idx.msk [tilespmem:v61+s9+$0x0], $0xffff  }
0x55: {  	v62 =	vor.u32 v5, v60;
	_ =	sdelay $0x3  }
0x56: {  	[tilespmem:$0x18280] =	vst v50  }
0x57: {  	v50 =	vld.idx.msk [tilespmem:v62+s9+$0x0], $0xffff  }
0x58: {  	v63 =	vor.u32 v6, v60;
	_ =	sdelay $0x3  }
0x59: {  	[tilespmem:$0x18290] =	vst v50  }
0x5a: {  	v50 =	vld.idx.msk [tilespmem:v63+s9+$0x0], $0xffff  }
0x5b: {  	v51 =	vor.u32 v7, v60;
	_ =	sdelay $0x3  }
0x5c: {  	v56 =	vbroadcast v48, $0x2;
	[tilespmem:$0x182A0] =	vst v50  }
0x5d: {  	v51 =	vld.idx.msk [tilespmem:v51+s9+$0x0], $0xffff  }
0x5e: {  	v57 =	vor.u32 v8, v56;
	_ =	sdelay $0x3  }
0x5f: {  	[tilespmem:$0x182B0] =	vst v51  }
0x60: {  	v51 =	vld.idx.msk [tilespmem:v57+s9+$0x0], $0xffff  }
0x61: {  	v58 =	vor.u32 v9, v56;
	_ =	sdelay $0x3  }
0x62: {  	[tilespmem:$0x18300] =	vst v51  }
0x63: {  	v51 =	vld.idx.msk [tilespmem:v58+s9+$0x0], $0xffff  }
0x64: {  	v59 =	vor.u32 v10, v56;
	_ =	sdelay $0x3  }
0x65: {  	[tilespmem:$0x18310] =	vst v51  }
0x66: {  	v51 =	vld.idx.msk [tilespmem:v59+s9+$0x0], $0xffff  }
0x67: {  	v50 =	vor.u32 v11, v56;
	_ =	sdelay $0x3  }
0x68: {  	v60 =	vbroadcast v48, $0x3;
	[tilespmem:$0x18320] =	vst v51  }
0x69: {  	v50 =	vld.idx.msk [tilespmem:v50+s9+$0x0], $0xffff  }
0x6a: {  	v61 =	vor.u32 v12, v60;
	_ =	sdelay $0x3  }
0x6b: {  	[tilespmem:$0x18330] =	vst v50  }
0x6c: {  	v50 =	vld.idx.msk [tilespmem:v61+s9+$0x0], $0xffff  }
0x6d: {  	v62 =	vor.u32 v13, v60;
	_ =	sdelay $0x3  }
0x6e: {  	[tilespmem:$0x18380] =	vst v50  }
0x6f: {  	v50 =	vld.idx.msk [tilespmem:v62+s9+$0x0], $0xffff  }
0x70: {  	v63 =	vor.u32 v14, v60  }
0x71: {  	(v2sf) =	vpush v49, $0xC;
	_ =	sdelay $0x1  }
0x72: {  	(v2sf) =	vpush v49, $0xD  }
0x73: {  	[tilespmem:$0x18390] =	vst v50  }
0x74: {  	(v2sf) =	vpush v49, $0xE;
	v50 =	vld.idx.msk [tilespmem:v63+s9+$0x0], $0xffff  }
0x75: {  	v51 =	vor.u32 v15, v60  }
0x76: {  	(v2sf) =	vpush v49, $0xF;
	_ =	sdelay $0x2  }
0x77: {  	[tilespmem:$0x183A0] =	vst v50  }
0x78: {  	v56 =	vld.idx.msk [tilespmem:v51+s9+$0x0], $0xffff;
	_ =	sdelay $0x4  }
0x79: {  	s28 =	spop (v2sf);
	[tilespmem:$0x183B0] =	vst v56  }
0x7a: {  	[tilespmem:s9], [sflag:$0x1] =	stream.strided.gather [hbm4b:s28+s7], $0x2000, s8, s7, $0x38;
	[tilespmem:$0x18A00] =	vst v63  }
0x7b: {  	s29 =	spop (v2sf)  }
0x7c: {  	[tilespmem:s10], [sflag:$0x1] =	stream.strided.gather [hbm4b:s29+s7], $0x2000, s8, s7, $0x38;
	[tilespmem:$0x18A00] =	vst v63  }
0x7d: {  	s30 =	spop (v2sf)  }
0x7e: {  	[tilespmem:s11], [sflag:$0x1] =	stream.strided.gather [hbm4b:s30+s7], $0x2000, s8, s7, $0x38;
	[tilespmem:$0x18A00] =	vst v63  }
0x7f: {  	s31 =	spop (v2sf)  }
0x80: {  	[tilespmem:s12], [sflag:$0x1] =	stream.strided.gather [hbm4b:s31+s7], $0x2000, s8, s7, $0x38;
	[tilespmem:$0x18A00] =	vst v63  }
0x81: {  	_ =	swait.ge [sflag:s16], $0x2000  }
0x82: {  	[sflag:s16] =	ssyncset.done $0x0  }
0x83: {  	[sflag:s16] =	ssyncadd.s32 $0xFFFFE000  }
0x84: {  	_ =	swait.ge [sflag:s16], $0x2000  }
0x85: {  	[sflag:s16] =	ssyncset.done $0x0  }
0x86: {  	v57 =	vbroadcast v48, $0x4;
	[sflag:s16] =	ssyncadd.s32 $0xFFFFE000  }
0x87: {  	_ =	swait.ge [sflag:s16], $0x2000  }
0x88: {  	v58 =	vor.u32 v16, v57;
	[sflag:s16] =	ssyncset.done $0x0  }
0x89: {  	[sflag:s16] =	ssyncadd.s32 $0xFFFFE000  }
0x8a: {  	_ =	swait.ge [sflag:s16], $0x2000  }
0x8b: {  	[sflag:s16] =	ssyncset.done $0x0  }
0x8c: {  	[sflag:s16] =	ssyncadd.s32 $0xFFFFE000  }
0x8d: {  	v50 =	vld.idx.msk [tilespmem:v58+s9+$0x0], $0xffff  }
0x8e: {  	v59 =	vor.u32 v17, v57;
	_ =	sdelay $0x3  }
0x8f: {  	[tilespmem:$0x18400] =	vst v50  }
0x90: {  	v50 =	vld.idx.msk [tilespmem:v59+s9+$0x0], $0xffff  }
0x91: {  	v60 =	vor.u32 v18, v57;
	_ =	sdelay $0x3  }
0x92: {  	[tilespmem:$0x18410] =	vst v50  }
0x93: {  	v50 =	vld.idx.msk [tilespmem:v60+s9+$0x0], $0xffff  }
0x94: {  	v49 =	vor.u32 v19, v57;
	_ =	sdelay $0x3  }
0x95: {  	v61 =	vbroadcast v48, $0x5;
	[tilespmem:$0x18420] =	vst v50  }
0x96: {  	v49 =	vld.idx.msk [tilespmem:v49+s9+$0x0], $0xffff  }
0x97: {  	v62 =	vor.u32 v20, v61;
	_ =	sdelay $0x3  }
0x98: {  	[tilespmem:$0x18430] =	vst v49  }
0x99: {  	v49 =	vld.idx.msk [tilespmem:v62+s9+$0x0], $0xffff  }
0x9a: {  	v63 =	vor.u32 v21, v61;
	_ =	sdelay $0x3  }
0x9b: {  	[tilespmem:$0x18480] =	vst v49  }
0x9c: {  	v49 =	vld.idx.msk [tilespmem:v63+s9+$0x0], $0xffff  }
0x9d: {  	v54 =	vor.u32 v22, v61;
	_ =	sdelay $0x3  }
0x9e: {  	[tilespmem:$0x18490] =	vst v49  }
0x9f: {  	v49 =	vld.idx.msk [tilespmem:v54+s9+$0x0], $0xffff  }
0xa0: {  	v50 =	vor.u32 v23, v61;
	_ =	sdelay $0x3  }
0xa1: {  	v55 =	vbroadcast v48, $0x6;
	[tilespmem:$0x184A0] =	vst v49  }
0xa2: {  	v50 =	vld.idx.msk [tilespmem:v50+s9+$0x0], $0xffff  }
0xa3: {  	v56 =	vor.u32 v24, v55;
	_ =	sdelay $0x3  }
0xa4: {  	[tilespmem:$0x184B0] =	vst v50  }
0xa5: {  	v50 =	vld.idx.msk [tilespmem:v56+s9+$0x0], $0xffff  }
0xa6: {  	v57 =	vor.u32 v25, v55;
	_ =	sdelay $0x3  }
0xa7: {  	[tilespmem:$0x18500] =	vst v50  }
0xa8: {  	v50 =	vld.idx.msk [tilespmem:v57+s9+$0x0], $0xffff  }
0xa9: {  	v58 =	vor.u32 v26, v55;
	_ =	sdelay $0x3  }
0xaa: {  	[tilespmem:$0x18510] =	vst v50  }
0xab: {  	v50 =	vld.idx.msk [tilespmem:v58+s9+$0x0], $0xffff  }
0xac: {  	v49 =	vor.u32 v27, v55;
	_ =	sdelay $0x3  }
0xad: {  	v59 =	vbroadcast v48, $0x7;
	[tilespmem:$0x18520] =	vst v50  }
0xae: {  	v49 =	vld.idx.msk [tilespmem:v49+s9+$0x0], $0xffff  }
0xaf: {  	v60 =	vor.u32 v28, v59;
	_ =	sdelay $0x3  }
0xb0: {  	[tilespmem:$0x18530] =	vst v49  }
0xb1: {  	v49 =	vld.idx.msk [tilespmem:v60+s9+$0x0], $0xffff  }
0xb2: {  	v61 =	vor.u32 v29, v59;
	_ =	sdelay $0x3  }
0xb3: {  	[tilespmem:$0x18580] =	vst v49  }
0xb4: {  	v49 =	vld.idx.msk [tilespmem:v61+s9+$0x0], $0xffff  }
0xb5: {  	v62 =	vor.u32 v30, v59;
	_ =	sdelay $0x3  }
0xb6: {  	[tilespmem:$0x18590] =	vst v49  }
0xb7: {  	v49 =	vld.idx.msk [tilespmem:v62+s9+$0x0], $0xffff  }
0xb8: {  	v50 =	vor.u32 v31, v59;
	_ =	sdelay $0x3  }
0xb9: {  	[tilespmem:$0x185A0] =	vst v49  }
0xba: {  	v49 =	vld.idx.msk [tilespmem:v50+s9+$0x0], $0xffff;
	_ =	sdelay $0x4  }
0xbb: {  	[tilespmem:$0x185B0] =	vst v49  }
0xbc: {  	_ =	swait.ge [sflag:s16], $0x2000  }
0xbd: {  	[sflag:s16] =	ssyncset.done $0x0  }
0xbe: {  	[sflag:s16] =	ssyncadd.s32 $0xFFFFE000  }
0xbf: {  	_ =	swait.ge [sflag:s16], $0x2000  }
0xc0: {  	[sflag:s16] =	ssyncset.done $0x0  }
0xc1: {  	v63 =	vbroadcast v48, $0x8;
	[sflag:s16] =	ssyncadd.s32 $0xFFFFE000  }
0xc2: {  	_ =	swait.ge [sflag:s16], $0x2000  }
0xc3: {  	v54 =	vor.u32 v32, v63;
	[sflag:s16] =	ssyncset.done $0x0  }
0xc4: {  	[sflag:s16] =	ssyncadd.s32 $0xFFFFE000  }
0xc5: {  	_ =	swait.ge [sflag:s16], $0x2000  }
0xc6: {  	[sflag:s16] =	ssyncset.done $0x0  }
0xc7: {  	[sflag:s16] =	ssyncadd.s32 $0xFFFFE000  }
0xc8: {  	v50 =	vld.idx.msk [tilespmem:v54+s9+$0x0], $0xffff  }
0xc9: {  	v55 =	vor.u32 v33, v63;
	_ =	sdelay $0x3  }
0xca: {  	[tilespmem:$0x18600] =	vst v50  }
0xcb: {  	v50 =	vld.idx.msk [tilespmem:v55+s9+$0x0], $0xffff  }
0xcc: {  	v56 =	vor.u32 v34, v63;
	_ =	sdelay $0x3  }
0xcd: {  	[tilespmem:$0x18610] =	vst v50  }
0xce: {  	v50 =	vld.idx.msk [tilespmem:v56+s9+$0x0], $0xffff  }
0xcf: {  	v49 =	vor.u32 v35, v63;
	_ =	sdelay $0x3  }
0xd0: {  	v57 =	vbroadcast v48, $0x9;
	[tilespmem:$0x18620] =	vst v50  }
0xd1: {  	v49 =	vld.idx.msk [tilespmem:v49+s9+$0x0], $0xffff  }
0xd2: {  	v58 =	vor.u32 v36, v57;
	_ =	sdelay $0x3  }
0xd3: {  	[tilespmem:$0x18630] =	vst v49  }
0xd4: {  	v49 =	vld.idx.msk [tilespmem:v58+s9+$0x0], $0xffff  }
0xd5: {  	v59 =	vor.u32 v37, v57;
	_ =	sdelay $0x3  }
0xd6: {  	[tilespmem:$0x18680] =	vst v49  }
0xd7: {  	v49 =	vld.idx.msk [tilespmem:v59+s9+$0x0], $0xffff  }
0xd8: {  	v60 =	vor.u32 v38, v57;
	_ =	sdelay $0x3  }
0xd9: {  	[tilespmem:$0x18690] =	vst v49  }
0xda: {  	v49 =	vld.idx.msk [tilespmem:v60+s9+$0x0], $0xffff  }
0xdb: {  	v50 =	vor.u32 v39, v57;
	_ =	sdelay $0x3  }
0xdc: {  	v61 =	vbroadcast v48, $0xA;
	[tilespmem:$0x186A0] =	vst v49  }
0xdd: {  	v50 =	vld.idx.msk [tilespmem:v50+s9+$0x0], $0xffff  }
0xde: {  	v62 =	vor.u32 v40, v61;
	_ =	sdelay $0x3  }
0xdf: {  	[tilespmem:$0x186B0] =	vst v50  }
0xe0: {  	v50 =	vld.idx.msk [tilespmem:v62+s9+$0x0], $0xffff  }
0xe1: {  	v63 =	vor.u32 v41, v61;
	_ =	sdelay $0x3  }
0xe2: {  	[tilespmem:$0x18700] =	vst v50  }
0xe3: {  	v50 =	vld.idx.msk [tilespmem:v63+s9+$0x0], $0xffff  }
0xe4: {  	v54 =	vor.u32 v42, v61;
	_ =	sdelay $0x3  }
0xe5: {  	[tilespmem:$0x18710] =	vst v50  }
0xe6: {  	v50 =	vld.idx.msk [tilespmem:v54+s9+$0x0], $0xffff  }
0xe7: {  	v49 =	vor.u32 v43, v61;
	_ =	sdelay $0x3  }
0xe8: {  	v55 =	vbroadcast v48, $0xB;
	[tilespmem:$0x18720] =	vst v50  }
0xe9: {  	v49 =	vld.idx.msk [tilespmem:v49+s9+$0x0], $0xffff  }
0xea: {  	v56 =	vor.u32 v44, v55;
	_ =	sdelay $0x3  }
0xeb: {  	[tilespmem:$0x18730] =	vst v49  }
0xec: {  	v49 =	vld.idx.msk [tilespmem:v56+s9+$0x0], $0xffff  }
0xed: {  	v57 =	vor.u32 v45, v55;
	_ =	sdelay $0x3  }
0xee: {  	[tilespmem:$0x18780] =	vst v49  }
0xef: {  	v49 =	vld.idx.msk [tilespmem:v57+s9+$0x0], $0xffff  }
0xf0: {  	v58 =	vor.u32 v46, v55;
	_ =	sdelay $0x3  }
0xf1: {  	[tilespmem:$0x18790] =	vst v49  }
0xf2: {  	v49 =	vld.idx.msk [tilespmem:v58+s9+$0x0], $0xffff  }
0xf3: {  	v50 =	vor.u32 v47, v55;
	_ =	sdelay $0x3  }
0xf4: {  	[tilespmem:$0x187A0] =	vst v49  }
0xf5: {  	v49 =	vld.idx.msk [tilespmem:v50+s9+$0x0], $0xffff;
	_ =	sdelay $0x4  }
0xf6: {  	[tilespmem:$0x187B0] =	vst v49  }
0xf7: {  	_ =	swait.ge [sflag:s16], $0x2000  }
0xf8: {  	[sflag:s16] =	ssyncset.done $0x0  }
0xf9: {  	[sflag:s16] =	ssyncadd.s32 $0xFFFFE000  }
0xfa: {  	_ =	swait.ge [sflag:s16], $0x2000  }
0xfb: {  	[sflag:s16] =	ssyncset.done $0x0  }
0xfc: {  	v59 =	vbroadcast v48, $0xC;
	[sflag:s16] =	ssyncadd.s32 $0xFFFFE000  }
0xfd: {  	_ =	swait.ge [sflag:s16], $0x2000  }
0xfe: {  	v60 =	vor.u32 v0, v59;
	[sflag:s16] =	ssyncset.done $0x0  }
0xff: {  	[sflag:s16] =	ssyncadd.s32 $0xFFFFE000  }
0x100: {  	_ =	swait.ge [sflag:s16], $0x2000  }
0x101: {  	[sflag:s16] =	ssyncset.done $0x0  }
0x102: {  	[sflag:s16] =	ssyncadd.s32 $0xFFFFE000  }
0x103: {  	v50 =	vld.idx.msk [tilespmem:v60+s9+$0x0], $0xffff  }
0x104: {  	v61 =	vor.u32 v1, v59;
	_ =	sdelay $0x3  }
0x105: {  	[tilespmem:$0x18800] =	vst v50  }
0x106: {  	v50 =	vld.idx.msk [tilespmem:v61+s9+$0x0], $0xffff  }
0x107: {  	v62 =	vor.u32 v2, v59;
	_ =	sdelay $0x3  }
0x108: {  	[tilespmem:$0x18810] =	vst v50  }
0x109: {  	v50 =	vld.idx.msk [tilespmem:v62+s9+$0x0], $0xffff  }
0x10a: {  	v49 =	vor.u32 v3, v59;
	_ =	sdelay $0x3  }
0x10b: {  	v63 =	vbroadcast v48, $0xD;
	[tilespmem:$0x18820] =	vst v50  }
0x10c: {  	v49 =	vld.idx.msk [tilespmem:v49+s9+$0x0], $0xffff  }
0x10d: {  	v54 =	vor.u32 v4, v63;
	_ =	sdelay $0x3  }
0x10e: {  	[tilespmem:$0x18830] =	vst v49  }
0x10f: {  	v49 =	vld.idx.msk [tilespmem:v54+s9+$0x0], $0xffff  }
0x110: {  	v55 =	vor.u32 v5, v63;
	_ =	sdelay $0x3  }
0x111: {  	[tilespmem:$0x18880] =	vst v49  }
0x112: {  	v49 =	vld.idx.msk [tilespmem:v55+s9+$0x0], $0xffff  }
0x113: {  	v56 =	vor.u32 v6, v63;
	_ =	sdelay $0x3  }
0x114: {  	[tilespmem:$0x18890] =	vst v49  }
0x115: {  	v49 =	vld.idx.msk [tilespmem:v56+s9+$0x0], $0xffff  }
0x116: {  	v50 =	vor.u32 v7, v63;
	_ =	sdelay $0x3  }
0x117: {  	v57 =	vbroadcast v48, $0xE;
	[tilespmem:$0x188A0] =	vst v49  }
0x118: {  	v50 =	vld.idx.msk [tilespmem:v50+s9+$0x0], $0xffff  }
0x119: {  	v58 =	vor.u32 v8, v57;
	_ =	sdelay $0x3  }
0x11a: {  	[tilespmem:$0x188B0] =	vst v50  }
0x11b: {  	v50 =	vld.idx.msk [tilespmem:v58+s9+$0x0], $0xffff  }
0x11c: {  	v59 =	vor.u32 v9, v57;
	_ =	sdelay $0x3  }
0x11d: {  	[tilespmem:$0x18900] =	vst v50  }
0x11e: {  	v50 =	vld.idx.msk [tilespmem:v59+s9+$0x0], $0xffff  }
0x11f: {  	v60 =	vor.u32 v10, v57;
	_ =	sdelay $0x3  }
0x120: {  	[tilespmem:$0x18910] =	vst v50  }
0x121: {  	v50 =	vld.idx.msk [tilespmem:v60+s9+$0x0], $0xffff  }
0x122: {  	v49 =	vor.u32 v11, v57;
	_ =	sdelay $0x3  }
0x123: {  	v48 =	vbroadcast v48, $0xF;
	[tilespmem:$0x18920] =	vst v50  }
0x124: {  	v49 =	vld.idx.msk [tilespmem:v49+s9+$0x0], $0xffff  }
0x125: {  	v61 =	vor.u32 v12, v48;
	_ =	sdelay $0x3  }
0x126: {  	[tilespmem:$0x18930] =	vst v49  }
0x127: {  	v49 =	vld.idx.msk [tilespmem:v61+s9+$0x0], $0xffff  }
0x128: {  	v62 =	vor.u32 v13, v48;
	_ =	sdelay $0x3  }
0x129: {  	[tilespmem:$0x18980] =	vst v49  }
0x12a: {  	v49 =	vld.idx.msk [tilespmem:v62+s9+$0x0], $0xffff  }
0x12b: {  	v63 =	vor.u32 v14, v48;
	_ =	sdelay $0x3  }
0x12c: {  	[tilespmem:$0x18990] =	vst v49  }
0x12d: {  	v49 =	vld.idx.msk [tilespmem:v63+s9+$0x0], $0xffff  }
0x12e: {  	v48 =	vor.u32 v15, v48;
	_ =	sdelay $0x3  }
0x12f: {  	[tilespmem:$0x189A0] =	vst v49  }
0x130: {  	v48 =	vld.idx.msk [tilespmem:v48+s9+$0x0], $0xffff;
	_ =	sdelay $0x3  }
0x131: {  	p0 =	sne.s32 s20, $0x7C0  }
.Ltmp0:
0x132: {  	[tilespmem:$0x189B0] =	vst v48;
	(pc) =	sbr.rel @p0 .LBB2_2-.Ltmp0, $4  }
0x133: {  	[hbm4b:s19+s1] =	stream.linear.scatter [tilespmem:s17], [sflag:$0x2], $0x800, $0x38;
	[tilespmem:$0x18A00] =	vst v63  }
0x134: {  	_ =	swait.ge [sflag:s6], $0x800  }
0x135: {  	[sflag:s6] =	ssyncset.done $0x0  }
0x136: {  	s20 =	sadd.s32 $0x40, s20;
	s19 =	sadd.s32 $0x100, s19;
	[sflag:s6] =	ssyncadd.s32 $0xFFFFF800  }
0x137: {  	s18 =	sadd.s32 $0x1, s18  }
0x138: {  	p0 =	sne.s32 s18, s4  }
.Ltmp1:
0x139: {  	_ = 	snop;
	(pc) =	sbr.rel @p0 .LBB2_1-.Ltmp1, $1  }
0x13a: {  	_ =	sdelay $0x3  }
0x13b: {  	_ =	sfence.sel $0x180000  }
0x13c: {  	[bflag:$0x0] =	sbarrier.arrive $0xFFFF  }
0x13d: {  	p0 =	sne.s32 s2, $0x0;
	_ =	strace $0x90000047  }
0x13e: {  	s0 =	sadd.s32 @!p0 $0x100000, s0;
	[bflag:$0x2] =	sbarrier.arrive $0xFFFF  }
0x13f: {  	[sflag:s0] =	ssyncadd.tile.s32 @!p0 $0x1;
	_ =	shalt  }
.Lfunc_end2:
_tile_overlayer_lowered:
.L_overlay_start_2:
0x140: {  	(tag) =	ssettag $0x2  }
0x141: {  	s0 =	rddreg [dreg:$0x0];
	s2 =	stileid.u32  }
0x142: {  	s1 =	rddreg [dreg:$0x1];
	p0 =	sne.s32 s2, $0x0  }
0x143: {  	s3 =	rddreg [dreg:$0x2];
	[bflag:$0x3] =	sbarrier.arrive $0xFFFF;
	s2 =	simm.s32 @!p0 $0x1C02  }
0x144: {  	[timem:s3], [sflag:s2] =	dma.local @!p0 [hbm:s0], s1  }
0x145: {  	s0 =	simm.s32 @!p0 $0x2  }
0x146: {  	_ =	swait.ge @!p0 [sflag:s0], s1  }
0x147: {  	s1 =	ssub.s32 @!p0 $0x0, s1;
	[sflag:s0] =	ssyncset.done @!p0 $0x0  }
0x148: {  	[sflag:s0] =	ssyncadd.s32 @!p0 s1  }
0x149: {  	[bflag:$0x3] =	sbarrier.arrive $0xFFFF  }
0x14a: {  	_ =	shalt  }

</sc_bundles>
